<compile_context>
chip_gen: v7x
topology: tpu7x:2x2x1
jax: 0.10.2.dev20260603
libtpu: 0.0.44.dev20260713+nightly
codegen_flags: <defaults>
</compile_context>

<pallas_src>
import functools

import jax
import jax.numpy as jnp
from jax import lax
from jax.experimental import pallas as pl
from jax.experimental.pallas import tpu as pltpu
from jax.experimental.pallas import tpu_sc as plsc


def _precompute_body(fm_ref, wz_ref, wr_ref, wh_ref, bz_ref, bh_ref,
                     fz_ref, fr_ref, fh_ref, h1_ref, *, block_rows, h_size):
    fm = fm_ref[...]
    fz = jnp.dot(fm, wz_ref[...], preferred_element_type=jnp.float32)
    fr = jnp.dot(fm, wr_ref[...], preferred_element_type=jnp.float32)
    fh = jnp.dot(fm, wh_ref[...], preferred_element_type=jnp.float32)
    fz_ref[...] = fz.astype(fz_ref.dtype)
    fr_ref[...] = fr.astype(fr_ref.dtype)
    fh_ref[...] = fh.astype(fh_ref.dtype)
    z1 = jax.nn.sigmoid(fz + bz_ref[...])
    p1 = jnp.tanh(fh + bh_ref[...])
    h1 = z1 * p1
    row = lax.broadcasted_iota(jnp.int32, h1.shape, 0) + pl.program_id(0) * block_rows
    lane = lax.broadcasted_iota(jnp.int32, h1.shape, 1)
    h1_ref[...] = jnp.where((row == 0) & (lane < h_size), 0.0, h1).astype(h1_ref.dtype)


def _dense_body(hn_ref, fz_ref, fr_ref, fh_ref, uz_ref, ur_ref, uh_ref,
                bz_ref, urb_ref, bh_ref, out_ref, *, n_nei, block_rows, h_size,
                base_blk=0):
    fr = fr_ref[...].astype(jnp.float32)
    ur = ur_ref[...]
    urb = urb_ref[...]
    sum_h = jnp.zeros_like(fr)
    sum_g = jnp.zeros_like(fr)
    for n in range(n_nei):
        hn = hn_ref[n].astype(jnp.float32)
        r = jax.nn.sigmoid(
            fr + jnp.dot(hn, ur, preferred_element_type=jnp.float32) + urb)
        sum_h = sum_h + hn
        sum_g = sum_g + r * hn
    z = jax.nn.sigmoid(
        fz_ref[...].astype(jnp.float32)
        + jnp.dot(sum_h, uz_ref[...], preferred_element_type=jnp.float32)
        + bz_ref[...])
    pre = jnp.tanh(
        fh_ref[...].astype(jnp.float32)
        + jnp.dot(sum_g, uh_ref[...], preferred_element_type=jnp.float32)
        + bh_ref[...])
    nh = (1.0 - z) * sum_h + z * pre
    row = (lax.broadcasted_iota(jnp.int32, nh.shape, 0)
           + (pl.program_id(0) + base_blk) * block_rows)
    lane = lax.broadcasted_iota(jnp.int32, nh.shape, 1)
    out_ref[...] = jnp.where((row == 0) & (lane < h_size), 0.0, nh).astype(out_ref.dtype)


def _make_gather(n_rows, h_size, dtype):
    info = plsc.get_sparse_core_info()
    nc, ns = info.num_cores, info.num_subcores
    nw = nc * ns
    total = n_rows
    per_w = total // nw
    assert per_w * nw == total and per_w % 8 == 0
    k = 400
    if (per_w // k) % 2:
        k = 200
    n_chunks = per_w // k
    assert n_chunks * k == per_w and n_chunks % 2 == 0 and k % 8 == 0
    n_pairs = n_chunks // 2

    mesh = plsc.VectorSubcoreMesh(core_axis_name="c", subcore_axis_name="s")

    @functools.partial(
        pl.kernel,
        mesh=mesh,
        out_type=jax.ShapeDtypeStruct((total, h_size), dtype),
        scratch_types=[
            pltpu.VMEM((per_w,), jnp.int32),
            pltpu.VMEM((2, k, h_size), dtype),
            pltpu.SemaphoreType.DMA,
            pltpu.SemaphoreType.DMA,
            pltpu.SemaphoreType.DMA,
            pltpu.SemaphoreType.DMA,
        ],
        compiler_params=pltpu.CompilerParams(use_tc_tiling_on_sc=False),
    )
    def gather(h_hbm, idx_hbm, out_hbm, idx_v, rows_v, sg0, sg1, sw0, sw1):
        wid = lax.axis_index("s") * nc + lax.axis_index("c")
        base = wid * per_w
        sg = (sg0, sg1)
        sw = (sw0, sw1)

        pltpu.sync_copy(idx_hbm.at[pl.ds(base, per_w)], idx_v)

        def pair(g, carry):
            for b in range(2):
                i = g * 2 + b
                @pl.when(g > 0)
                def _():
                    pltpu.make_async_copy(
                        rows_v.at[b], out_hbm.at[pl.ds(base, k)], sw[b]).wait()

                pltpu.async_copy(
                    h_hbm.at[idx_v.at[pl.ds(i * k, k)]], rows_v.at[b], sg[b]
                ).wait()
                pltpu.async_copy(
                    rows_v.at[b], out_hbm.at[pl.ds(base + i * k, k)], sw[b])
            return carry

        lax.fori_loop(0, n_pairs, pair, 0)
        for b in range(2):
            pltpu.make_async_copy(
                rows_v.at[b], out_hbm.at[pl.ds(base, k)], sw[b]).wait()

    return gather


def kernel(fmess, bgraph, Wz_w, Wz_b, Wr_w, Ur_w, Ur_b, Wh_w, Wh_b):
    e_total, in_size = fmess.shape
    h_size = Ur_w.shape[0]
    n_nei = bgraph.shape[1]
    depth = 3
    hdtype = jnp.float32
    fdtype = jnp.bfloat16
    ep = e_total // 2
    hp = 2 * h_size

    eye2 = jnp.eye(2, dtype=jnp.float32)
    wzf2 = jnp.kron(eye2, Wz_w[:, :in_size].T)
    wr2 = jnp.kron(eye2, Wr_w.T)
    whf2 = jnp.kron(eye2, Wh_w[:, :in_size].T)
    wzh2 = jnp.kron(eye2, Wz_w[:, in_size:].T)
    whh2 = jnp.kron(eye2, Wh_w[:, in_size:].T)
    ur2 = jnp.kron(eye2, Ur_w.T)
    bz2 = jnp.tile(Wz_b.reshape(1, h_size), (1, 2))
    urb2 = jnp.tile(Ur_b.reshape(1, h_size), (1, 2))
    bh2 = jnp.tile(Wh_b.reshape(1, h_size), (1, 2))
    e2 = e_total // 2
    idx = bgraph.T.reshape(-1)
    idx_a = bgraph[:e2].T.reshape(-1)
    idx_b = bgraph[e2:].T.reshape(-1)
    fm2 = fmess.reshape(ep, 2 * in_size)

    bp = 1000
    grid_p = ep // bp
    fz, fr, fh, h = pl.pallas_call(
        functools.partial(_precompute_body, block_rows=bp, h_size=h_size),
        grid=(grid_p,),
        in_specs=[
            pl.BlockSpec((bp, 2 * in_size), lambda i: (i, 0)),
            pl.BlockSpec((2 * in_size, hp), lambda i: (0, 0)),
            pl.BlockSpec((2 * in_size, hp), lambda i: (0, 0)),
            pl.BlockSpec((2 * in_size, hp), lambda i: (0, 0)),
            pl.BlockSpec((1, hp), lambda i: (0, 0)),
            pl.BlockSpec((1, hp), lambda i: (0, 0)),
        ],
        out_specs=[pl.BlockSpec((bp, hp), lambda i: (i, 0))] * 4,
        out_shape=[jax.ShapeDtypeStruct((ep, hp), fdtype)] * 3
        + [jax.ShapeDtypeStruct((ep, hp), hdtype)],
        compiler_params=pltpu.CompilerParams(
            dimension_semantics=("parallel",)),
    )(fm2, wzf2, wr2, whf2, bz2, bh2)

    gather_full = _make_gather(e_total * n_nei, h_size, hdtype)
    gather_half = _make_gather(e_total * n_nei // 2, h_size, hdtype)

    bd = 1000

    def make_dense(out_dtype, n_blocks, base_blk):
        return pl.pallas_call(
            functools.partial(_dense_body, n_nei=n_nei, block_rows=bd,
                              h_size=h_size, base_blk=base_blk),
            grid=(n_blocks,),
            in_specs=[
                pl.BlockSpec((n_nei, bd, hp), lambda i: (0, i, 0)),
                pl.BlockSpec((bd, hp), lambda i: (i + base_blk, 0)),
                pl.BlockSpec((bd, hp), lambda i: (i + base_blk, 0)),
                pl.BlockSpec((bd, hp), lambda i: (i + base_blk, 0)),
                pl.BlockSpec((hp, hp), lambda i: (0, 0)),
                pl.BlockSpec((hp, hp), lambda i: (0, 0)),
                pl.BlockSpec((hp, hp), lambda i: (0, 0)),
                pl.BlockSpec((1, hp), lambda i: (0, 0)),
                pl.BlockSpec((1, hp), lambda i: (0, 0)),
                pl.BlockSpec((1, hp), lambda i: (0, 0)),
            ],
            out_specs=pl.BlockSpec((bd, hp), lambda i: (i, 0)),
            out_shape=jax.ShapeDtypeStruct((n_blocks * bd, hp), out_dtype),
            compiler_params=pltpu.CompilerParams(
                dimension_semantics=("parallel",)),
        )

    dense_mid = make_dense(hdtype, ep // bd, 0)
    half_blocks = ep // (2 * bd)
    dense_a = make_dense(jnp.float32, half_blocks, 0)
    dense_b = make_dense(jnp.float32, half_blocks, half_blocks)
    weights = (wzh2, ur2, whh2, bz2, urb2, bh2)

    for step in range(depth - 2):
        hnei = gather_full(h.reshape(e_total, h_size), idx)
        hnei = hnei.reshape(n_nei, ep, hp)
        h = dense_mid(hnei, fz, fr, fh, *weights)

    h64 = h.reshape(e_total, h_size)
    hnei_a = gather_half(h64, idx_a).reshape(n_nei, ep // 2, hp)
    hnei_b = gather_half(h64, idx_b).reshape(n_nei, ep // 2, hp)
    ha = dense_a(hnei_a, fz, fr, fh, *weights)
    hb = dense_b(hnei_b, fz, fr, fh, *weights)
    return jnp.concatenate([ha, hb], axis=0).reshape(e_total, h_size)

# --- scband reference (transcript-rebuilt; emitter-appended) ---
"""Pipeline reference for scband-dgcngru-65206193487970 (READ-ONLY COPY).

The authoritative reference and input builder live on the scoring server;
editing this copy changes nothing except your own understanding.
"""

import jax, jax.numpy as jnp
import numpy as np

DEPTH = 3
INPUT_SIZE = 128
H_SIZE = 64
E = 160000
MAX_NEI = 4


def setup_inputs(seed: int = 0) -> dict:
    key = jax.random.key(seed)
    ks = jax.random.split(key, 8)
    scale = 0.05
    fmess = jax.random.normal(ks[0], (E, INPUT_SIZE), dtype=jnp.float32)
    bgraph = jax.random.randint(ks[1], (E, MAX_NEI), 0, E, dtype=jnp.int32)
    Wz_w = jax.random.normal(ks[2], (H_SIZE, INPUT_SIZE + H_SIZE), dtype=jnp.float32) * scale
    Wz_b = jnp.zeros((H_SIZE,), dtype=jnp.float32)
    Wr_w = jax.random.normal(ks[3], (H_SIZE, INPUT_SIZE), dtype=jnp.float32) * scale
    Ur_w = jax.random.normal(ks[4], (H_SIZE, H_SIZE), dtype=jnp.float32) * scale
    Ur_b = jnp.zeros((H_SIZE,), dtype=jnp.float32)
    Wh_w = jax.random.normal(ks[5], (H_SIZE, INPUT_SIZE + H_SIZE), dtype=jnp.float32) * scale
    Wh_b = jnp.zeros((H_SIZE,), dtype=jnp.float32)
    return {"fmess": fmess, "bgraph": bgraph, "Wz_w": Wz_w, "Wz_b": Wz_b, "Wr_w": Wr_w, "Ur_w": Ur_w, "Ur_b": Ur_b, "Wh_w": Wh_w, "Wh_b": Wh_b}


def _gru_step(fmess, h, bgraph, Wz_w, Wz_b, Wr_w, Ur_w, Ur_b, Wh_w, Wh_b):
    # index_select_ND(h, 0, bgraph) -> [E, MAX_NEI, H_SIZE]
    h_nei = jnp.take(h, bgraph, axis=0)
    sum_h = h_nei.sum(axis=1)
    z_input = jnp.concatenate([fmess, sum_h], axis=1)
    z = jax.nn.sigmoid(z_input @ Wz_w.T + Wz_b)
    r_1 = (fmess @ Wr_w.T).reshape(-1, 1, H_SIZE)
    r_2 = h_nei @ Ur_w.T + Ur_b
    r = jax.nn.sigmoid(r_1 + r_2)
    gated_h = r * h_nei
    sum_gated_h = gated_h.sum(axis=1)
    h_input = jnp.concatenate([fmess, sum_gated_h], axis=1)
    pre_h = jnp.tanh(h_input @ Wh_w.T + Wh_b)
    new_h = (1.0 - z) * sum_h + z * pre_h
    return new_h


def reference(fmess, bgraph, Wz_w, Wz_b, Wr_w, Ur_w, Ur_b, Wh_w, Wh_b):
    h = jnp.zeros((fmess.shape[0], H_SIZE), dtype=fmess.dtype)
    mask = jnp.ones((h.shape[0], 1), dtype=h.dtype).at[0, 0].set(0.0)
    for _ in range(DEPTH):
        h = _gru_step(fmess, h, bgraph, Wz_w, Wz_b, Wr_w, Ur_w, Ur_b, Wh_w, Wh_b)
        h = h * mask
    return h

if __name__ == "__main__":
    import jax
    _d = setup_inputs()
    print(jax.jit(kernel)(*tuple(_d.values())))

</pallas_src>

<mosaic_0001>
#map = affine_map<(d0, d1) -> (0, 0)>
#map1 = affine_map<(d0, d1) -> (0)>
module attributes {stable_mosaic.version = 14 : i64} {
  func.func @gather(%arg0: i32, %arg1: i32, %arg2: memref<160000x64xf32, #tpu.memory_space<hbm>>, %arg3: memref<640000xi32, #tpu.memory_space<hbm>>, %arg4: memref<640000x64xf32, #tpu.memory_space<hbm>>, %arg5: memref<20000xi32, #tpu.memory_space<vmem>>, %arg6: memref<2x400x64xf32, #tpu.memory_space<vmem>>, %arg7: memref<!tpu.dma_semaphore, #tpu.memory_space<semaphore_mem>>, %arg8: memref<!tpu.dma_semaphore, #tpu.memory_space<semaphore_mem>>, %arg9: memref<!tpu.dma_semaphore, #tpu.memory_space<semaphore_mem>>, %arg10: memref<!tpu.dma_semaphore, #tpu.memory_space<semaphore_mem>>) attributes {dimension_semantics = [#tpu.dimension_semantics<core_parallel>, #tpu.dimension_semantics<subcore_parallel>], iteration_bounds = array<i64: 2, 16>, scalar_prefetch = 0 : i64, scratch_operands = 6 : i64, tpu.core_type = #tpu.core_type<sc_vector_subcore>, window_params = [{transform_indices = #map}, {transform_indices = #map1}, {transform_indices = #map}]} {
    %mul3A = arith.constant 2 : i32
    %mul3A_0 = arith.muli %arg1, %mul3A : i32
    %add3A = arith.addi %mul3A_0, %arg0 : i32
    %mul3A_1 = arith.constant 20000 : i32
    %mul3A_2 = arith.muli %add3A, %mul3A_1 : i32
    "tpu.region"() ({
      %run_scoped3A = tpu.sem_alloc : memref<!tpu.dma_semaphore, #tpu.memory_space<semaphore_mem>>
      %dma_start3A = tpu.memref_slice %arg3[%mul3A_2] : memref<640000xi32, #tpu.memory_space<hbm>> -> memref<20000xi32, #tpu.memory_space<hbm>>
      %dma_start3A_33 = tpu.memref_slice %arg3[%mul3A_2] : memref<640000xi32, #tpu.memory_space<hbm>> -> memref<20000xi32, #tpu.memory_space<hbm>>
      tpu.enqueue_dma source(%dma_start3A_33 : memref<20000xi32, #tpu.memory_space<hbm>>) target(%arg5 : memref<20000xi32, #tpu.memory_space<vmem>>) target_semaphore(%run_scoped3A : memref<!tpu.dma_semaphore, #tpu.memory_space<semaphore_mem>>)
      %dma_wait3A_34 = tpu.memref_slice %arg3[%mul3A_2] : memref<640000xi32, #tpu.memory_space<hbm>> -> memref<20000xi32, #tpu.memory_space<hbm>>
      %dma_wait3A_35 = tpu.memref_slice %arg3[%mul3A_2] : memref<640000xi32, #tpu.memory_space<hbm>> -> memref<20000xi32, #tpu.memory_space<hbm>>
      tpu.wait_dma2 semaphore(%run_scoped3A : memref<!tpu.dma_semaphore, #tpu.memory_space<semaphore_mem>>) src(%dma_wait3A_35 : memref<20000xi32, #tpu.memory_space<hbm>>) dst(%arg5 : memref<20000xi32, #tpu.memory_space<vmem>>)
      tpu.yield
    }) : () -> ()
    %scan3A = arith.constant 0 : i32
    %scan3A_3 = arith.constant 0 : i32
    %scan3A_4 = arith.constant 25 : i32
    %scan3A_5 = arith.addi %scan3A_3, %scan3A_4 : i32
    %scan3A_6 = arith.constant 1 : i32
    scf.for %scan3A_33 = %scan3A_3 to %scan3A_5 step %scan3A_6  : i32 {
      %mul3A_34 = arith.constant 2 : i32
      %mul3A_35 = arith.muli %scan3A_33, %mul3A_34 : i32
      %add3A_36 = arith.constant 0 : i32
      %add3A_37 = arith.addi %mul3A_35, %add3A_36 : i32
      %gt3A = arith.constant 0 : i32
      %gt3A_38 = arith.cmpi sgt, %scan3A_33, %gt3A : i32
      %convert_element_type3A = arith.extui %gt3A_38 : i1 to i32
      %cond3A = arith.constant 0 : i32
      %cond3A_39 = arith.cmpi ne, %convert_element_type3A, %cond3A : i32
      scf.if %cond3A_39 {
        %dma_wait3A_120 = arith.constant 0 : i32
        %dma_wait3A_121 = arith.constant 0 : i32
        %dma_wait3A_122 = arith.constant 0 : i32
        %dma_wait3A_123 = tpu.memref_slice %arg6[%dma_wait3A_120, %dma_wait3A_121, %dma_wait3A_122] : memref<2x400x64xf32, #tpu.memory_space<vmem>> -> memref<1x400x64xf32, #tpu.memory_space<vmem>>
        %dma_wait3A_124 = tpu.memref_squeeze %dma_wait3A_123 : memref<1x400x64xf32, #tpu.memory_space<vmem>> -> memref<400x64xf32, #tpu.memory_space<vmem>>
        %dma_wait3A_125 = arith.constant 0 : i32
        %dma_wait3A_126 = tpu.memref_slice %arg4[%mul3A_2, %dma_wait3A_125] : memref<640000x64xf32, #tpu.memory_space<hbm>> -> memref<400x64xf32, #tpu.memory_space<hbm>>
        %dma_wait3A_127 = arith.constant 0 : i32
        %dma_wait3A_128 = tpu.memref_slice %arg4[%mul3A_2, %dma_wait3A_127] : memref<640000x64xf32, #tpu.memory_space<hbm>> -> memref<400x64xf32, #tpu.memory_space<hbm>>
        %dma_wait3A_129 = arith.constant 0 : i32
        %dma_wait3A_130 = arith.constant 0 : i32
        %dma_wait3A_131 = tpu.memref_slice %arg6[%dma_wait3A_120, %dma_wait3A_129, %dma_wait3A_130] : memref<2x400x64xf32, #tpu.memory_space<vmem>> -> memref<1x400x64xf32, #tpu.memory_space<vmem>>
        %dma_wait3A_132 = tpu.memref_squeeze %dma_wait3A_131 : memref<1x400x64xf32, #tpu.memory_space<vmem>> -> memref<400x64xf32, #tpu.memory_space<vmem>>
        tpu.wait_dma2 semaphore(%arg9 : memref<!tpu.dma_semaphore, #tpu.memory_space<semaphore_mem>>) src(%dma_wait3A_132 : memref<400x64xf32, #tpu.memory_space<vmem>>) dst(%dma_wait3A_128 : memref<400x64xf32, #tpu.memory_space<hbm>>)
      } else {
      }
      %mul3A_40 = arith.constant 400 : i32
      %mul3A_41 = arith.muli %add3A_37, %mul3A_40 : i32
      %dma_start3A = arith.constant 0 : i32
      %dma_start3A_42 = arith.constant 0 : i32
      %dma_start3A_43 = arith.constant 0 : i32
      %dma_start3A_44 = tpu.memref_slice %arg6[%dma_start3A, %dma_start3A_42, %dma_start3A_43] : memref<2x400x64xf32, #tpu.memory_space<vmem>> -> memref<1x400x64xf32, #tpu.memory_space<vmem>>
      %dma_start3A_45 = tpu.memref_squeeze %dma_start3A_44 : memref<1x400x64xf32, #tpu.memory_space<vmem>> -> memref<400x64xf32, #tpu.memory_space<vmem>>
      %dma_start3A_46 = tpu.memref_slice %arg5[%mul3A_41] : memref<20000xi32, #tpu.memory_space<vmem>> -> memref<400xi32, #tpu.memory_space<vmem>>
      %dma_start3A_47 = arith.constant 0 : i32
      %dma_start3A_48 = arith.constant 0 : i32
      %dma_start3A_49 = tpu.memref_slice %arg2[%dma_start3A_47, %dma_start3A_48] : memref<160000x64xf32, #tpu.memory_space<hbm>> -> memref<160000x64xf32, #tpu.memory_space<hbm>>
      tpu.enqueue_indirect_dma source(%dma_start3A_49 : memref<160000x64xf32, #tpu.memory_space<hbm>>) target(%dma_start3A_45 : memref<400x64xf32, #tpu.memory_space<vmem>>) offsets(%dma_start3A_46 : memref<400xi32, #tpu.memory_space<vmem>>) semaphore(%arg7 : memref<!tpu.dma_semaphore, #tpu.memory_space<semaphore_mem>>)
      %dma_wait3A_50 = arith.constant 0 : i32
      %dma_wait3A_51 = arith.constant 0 : i32
      %dma_wait3A_52 = arith.constant 0 : i32
      %dma_wait3A_53 = tpu.memref_slice %arg6[%dma_wait3A_50, %dma_wait3A_51, %dma_wait3A_52] : memref<2x400x64xf32, #tpu.memory_space<vmem>> -> memref<1x400x64xf32, #tpu.memory_space<vmem>>
      %dma_wait3A_54 = tpu.memref_squeeze %dma_wait3A_53 : memref<1x400x64xf32, #tpu.memory_space<vmem>> -> memref<400x64xf32, #tpu.memory_space<vmem>>
      %dma_wait3A_55 = tpu.memref_slice %arg5[%mul3A_41] : memref<20000xi32, #tpu.memory_space<vmem>> -> memref<400xi32, #tpu.memory_space<vmem>>
      %dma_wait3A_56 = arith.constant 0 : i32
      %dma_wait3A_57 = arith.constant 0 : i32
      %dma_wait3A_58 = tpu.memref_slice %arg2[%dma_wait3A_56, %dma_wait3A_57] : memref<160000x64xf32, #tpu.memory_space<hbm>> -> memref<160000x64xf32, #tpu.memory_space<hbm>>
      tpu.wait_indirect_dma semaphore(%arg7 : memref<!tpu.dma_semaphore, #tpu.memory_space<semaphore_mem>>) src(%dma_wait3A_58 : memref<160000x64xf32, #tpu.memory_space<hbm>>) dst(%dma_wait3A_54 : memref<400x64xf32, #tpu.memory_space<vmem>>)
      %mul3A_59 = arith.constant 400 : i32
      %mul3A_60 = arith.muli %add3A_37, %mul3A_59 : i32
      %add3A_61 = arith.addi %mul3A_2, %mul3A_60 : i32
      %dma_start3A_62 = arith.constant 0 : i32
      %dma_start3A_63 = arith.constant 0 : i32
      %dma_start3A_64 = arith.constant 0 : i32
      %dma_start3A_65 = tpu.memref_slice %arg6[%dma_start3A_62, %dma_start3A_63, %dma_start3A_64] : memref<2x400x64xf32, #tpu.memory_space<vmem>> -> memref<1x400x64xf32, #tpu.memory_space<vmem>>
      %dma_start3A_66 = tpu.memref_squeeze %dma_start3A_65 : memref<1x400x64xf32, #tpu.memory_space<vmem>> -> memref<400x64xf32, #tpu.memory_space<vmem>>
      %dma_start3A_67 = arith.constant 0 : i32
      %dma_start3A_68 = tpu.memref_slice %arg4[%add3A_61, %dma_start3A_67] : memref<640000x64xf32, #tpu.memory_space<hbm>> -> memref<400x64xf32, #tpu.memory_space<hbm>>
      %dma_start3A_69 = arith.constant 0 : i32
      %dma_start3A_70 = tpu.memref_slice %arg4[%add3A_61, %dma_start3A_69] : memref<640000x64xf32, #tpu.memory_space<hbm>> -> memref<400x64xf32, #tpu.memory_space<hbm>>
      %dma_start3A_71 = arith.constant 0 : i32
      %dma_start3A_72 = arith.constant 0 : i32
      %dma_start3A_73 = tpu.memref_slice %arg6[%dma_start3A_62, %dma_start3A_71, %dma_start3A_72] : memref<2x400x64xf32, #tpu.memory_space<vmem>> -> memref<1x400x64xf32, #tpu.memory_space<vmem>>
      %dma_start3A_74 = tpu.memref_squeeze %dma_start3A_73 : memref<1x400x64xf32, #tpu.memory_space<vmem>> -> memref<400x64xf32, #tpu.memory_space<vmem>>
      tpu.enqueue_dma source(%dma_start3A_74 : memref<400x64xf32, #tpu.memory_space<vmem>>) target(%dma_start3A_70 : memref<400x64xf32, #tpu.memory_space<hbm>>) target_semaphore(%arg9 : memref<!tpu.dma_semaphore, #tpu.memory_space<semaphore_mem>>)
      %mul3A_75 = arith.constant 2 : i32
      %mul3A_76 = arith.muli %scan3A_33, %mul3A_75 : i32
      %add3A_77 = arith.constant 1 : i32
      %add3A_78 = arith.addi %mul3A_76, %add3A_77 : i32
      %gt3A_79 = arith.constant 0 : i32
      %gt3A_80 = arith.cmpi sgt, %scan3A_33, %gt3A_79 : i32
      %convert_element_type3A_81 = arith.extui %gt3A_80 : i1 to i32
      %cond3A_82 = arith.constant 0 : i32
      %cond3A_83 = arith.cmpi ne, %convert_element_type3A_81, %cond3A_82 : i32
      scf.if %cond3A_83 {
        %dma_wait3A_120 = arith.constant 1 : i32
        %dma_wait3A_121 = arith.constant 0 : i32
        %dma_wait3A_122 = arith.constant 0 : i32
        %dma_wait3A_123 = tpu.memref_slice %arg6[%dma_wait3A_120, %dma_wait3A_121, %dma_wait3A_122] : memref<2x400x64xf32, #tpu.memory_space<vmem>> -> memref<1x400x64xf32, #tpu.memory_space<vmem>>
        %dma_wait3A_124 = tpu.memref_squeeze %dma_wait3A_123 : memref<1x400x64xf32, #tpu.memory_space<vmem>> -> memref<400x64xf32, #tpu.memory_space<vmem>>
        %dma_wait3A_125 = arith.constant 0 : i32
        %dma_wait3A_126 = tpu.memref_slice %arg4[%mul3A_2, %dma_wait3A_125] : memref<640000x64xf32, #tpu.memory_space<hbm>> -> memref<400x64xf32, #tpu.memory_space<hbm>>
        %dma_wait3A_127 = arith.constant 0 : i32
        %dma_wait3A_128 = tpu.memref_slice %arg4[%mul3A_2, %dma_wait3A_127] : memref<640000x64xf32, #tpu.memory_space<hbm>> -> memref<400x64xf32, #tpu.memory_space<hbm>>
        %dma_wait3A_129 = arith.constant 0 : i32
        %dma_wait3A_130 = arith.constant 0 : i32
        %dma_wait3A_131 = tpu.memref_slice %arg6[%dma_wait3A_120, %dma_wait3A_129, %dma_wait3A_130] : memref<2x400x64xf32, #tpu.memory_space<vmem>> -> memref<1x400x64xf32, #tpu.memory_space<vmem>>
        %dma_wait3A_132 = tpu.memref_squeeze %dma_wait3A_131 : memref<1x400x64xf32, #tpu.memory_space<vmem>> -> memref<400x64xf32, #tpu.memory_space<vmem>>
        tpu.wait_dma2 semaphore(%arg10 : memref<!tpu.dma_semaphore, #tpu.memory_space<semaphore_mem>>) src(%dma_wait3A_132 : memref<400x64xf32, #tpu.memory_space<vmem>>) dst(%dma_wait3A_128 : memref<400x64xf32, #tpu.memory_space<hbm>>)
      } else {
      }
      %mul3A_84 = arith.constant 400 : i32
      %mul3A_85 = arith.muli %add3A_78, %mul3A_84 : i32
      %dma_start3A_86 = arith.constant 1 : i32
      %dma_start3A_87 = arith.constant 0 : i32
      %dma_start3A_88 = arith.constant 0 : i32
      %dma_start3A_89 = tpu.memref_slice %arg6[%dma_start3A_86, %dma_start3A_87, %dma_start3A_88] : memref<2x400x64xf32, #tpu.memory_space<vmem>> -> memref<1x400x64xf32, #tpu.memory_space<vmem>>
      %dma_start3A_90 = tpu.memref_squeeze %dma_start3A_89 : memref<1x400x64xf32, #tpu.memory_space<vmem>> -> memref<400x64xf32, #tpu.memory_space<vmem>>
      %dma_start3A_91 = tpu.memref_slice %arg5[%mul3A_85] : memref<20000xi32, #tpu.memory_space<vmem>> -> memref<400xi32, #tpu.memory_space<vmem>>
      %dma_start3A_92 = arith.constant 0 : i32
      %dma_start3A_93 = arith.constant 0 : i32
      %dma_start3A_94 = tpu.memref_slice %arg2[%dma_start3A_92, %dma_start3A_93] : memref<160000x64xf32, #tpu.memory_space<hbm>> -> memref<160000x64xf32, #tpu.memory_space<hbm>>
      tpu.enqueue_indirect_dma source(%dma_start3A_94 : memref<160000x64xf32, #tpu.memory_space<hbm>>) target(%dma_start3A_90 : memref<400x64xf32, #tpu.memory_space<vmem>>) offsets(%dma_start3A_91 : memref<400xi32, #tpu.memory_space<vmem>>) semaphore(%arg8 : memref<!tpu.dma_semaphore, #tpu.memory_space<semaphore_mem>>)
      %dma_wait3A_95 = arith.constant 1 : i32
      %dma_wait3A_96 = arith.constant 0 : i32
      %dma_wait3A_97 = arith.constant 0 : i32
      %dma_wait3A_98 = tpu.memref_slice %arg6[%dma_wait3A_95, %dma_wait3A_96, %dma_wait3A_97] : memref<2x400x64xf32, #tpu.memory_space<vmem>> -> memref<1x400x64xf32, #tpu.memory_space<vmem>>
      %dma_wait3A_99 = tpu.memref_squeeze %dma_wait3A_98 : memref<1x400x64xf32, #tpu.memory_space<vmem>> -> memref<400x64xf32, #tpu.memory_space<vmem>>
      %dma_wait3A_100 = tpu.memref_slice %arg5[%mul3A_85] : memref<20000xi32, #tpu.memory_space<vmem>> -> memref<400xi32, #tpu.memory_space<vmem>>
      %dma_wait3A_101 = arith.constant 0 : i32
      %dma_wait3A_102 = arith.constant 0 : i32
      %dma_wait3A_103 = tpu.memref_slice %arg2[%dma_wait3A_101, %dma_wait3A_102] : memref<160000x64xf32, #tpu.memory_space<hbm>> -> memref<160000x64xf32, #tpu.memory_space<hbm>>
      tpu.wait_indirect_dma semaphore(%arg8 : memref<!tpu.dma_semaphore, #tpu.memory_space<semaphore_mem>>) src(%dma_wait3A_103 : memref<160000x64xf32, #tpu.memory_space<hbm>>) dst(%dma_wait3A_99 : memref<400x64xf32, #tpu.memory_space<vmem>>)
      %mul3A_104 = arith.constant 400 : i32
      %mul3A_105 = arith.muli %add3A_78, %mul3A_104 : i32
      %add3A_106 = arith.addi %mul3A_2, %mul3A_105 : i32
      %dma_start3A_107 = arith.constant 1 : i32
      %dma_start3A_108 = arith.constant 0 : i32
      %dma_start3A_109 = arith.constant 0 : i32
      %dma_start3A_110 = tpu.memref_slice %arg6[%dma_start3A_107, %dma_start3A_108, %dma_start3A_109] : memref<2x400x64xf32, #tpu.memory_space<vmem>> -> memref<1x400x64xf32, #tpu.memory_space<vmem>>
      %dma_start3A_111 = tpu.memref_squeeze %dma_start3A_110 : memref<1x400x64xf32, #tpu.memory_space<vmem>> -> memref<400x64xf32, #tpu.memory_space<vmem>>
      %dma_start3A_112 = arith.constant 0 : i32
      %dma_start3A_113 = tpu.memref_slice %arg4[%add3A_106, %dma_start3A_112] : memref<640000x64xf32, #tpu.memory_space<hbm>> -> memref<400x64xf32, #tpu.memory_space<hbm>>
      %dma_start3A_114 = arith.constant 0 : i32
      %dma_start3A_115 = tpu.memref_slice %arg4[%add3A_106, %dma_start3A_114] : memref<640000x64xf32, #tpu.memory_space<hbm>> -> memref<400x64xf32, #tpu.memory_space<hbm>>
      %dma_start3A_116 = arith.constant 0 : i32
      %dma_start3A_117 = arith.constant 0 : i32
      %dma_start3A_118 = tpu.memref_slice %arg6[%dma_start3A_107, %dma_start3A_116, %dma_start3A_117] : memref<2x400x64xf32, #tpu.memory_space<vmem>> -> memref<1x400x64xf32, #tpu.memory_space<vmem>>
      %dma_start3A_119 = tpu.memref_squeeze %dma_start3A_118 : memref<1x400x64xf32, #tpu.memory_space<vmem>> -> memref<400x64xf32, #tpu.memory_space<vmem>>
      tpu.enqueue_dma source(%dma_start3A_119 : memref<400x64xf32, #tpu.memory_space<vmem>>) target(%dma_start3A_115 : memref<400x64xf32, #tpu.memory_space<hbm>>) target_semaphore(%arg10 : memref<!tpu.dma_semaphore, #tpu.memory_space<semaphore_mem>>)
    }
    %scan3A_7 = arith.constant 25 : i32
    %dma_wait3A = arith.constant 0 : i32
    %dma_wait3A_8 = arith.constant 0 : i32
    %dma_wait3A_9 = arith.constant 0 : i32
    %dma_wait3A_10 = tpu.memref_slice %arg6[%dma_wait3A, %dma_wait3A_8, %dma_wait3A_9] : memref<2x400x64xf32, #tpu.memory_space<vmem>> -> memref<1x400x64xf32, #tpu.memory_space<vmem>>
    %dma_wait3A_11 = tpu.memref_squeeze %dma_wait3A_10 : memref<1x400x64xf32, #tpu.memory_space<vmem>> -> memref<400x64xf32, #tpu.memory_space<vmem>>
    %dma_wait3A_12 = arith.constant 0 : i32
    %dma_wait3A_13 = tpu.memref_slice %arg4[%mul3A_2, %dma_wait3A_12] : memref<640000x64xf32, #tpu.memory_space<hbm>> -> memref<400x64xf32, #tpu.memory_space<hbm>>
    %dma_wait3A_14 = arith.constant 0 : i32
    %dma_wait3A_15 = tpu.memref_slice %arg4[%mul3A_2, %dma_wait3A_14] : memref<640000x64xf32, #tpu.memory_space<hbm>> -> memref<400x64xf32, #tpu.memory_space<hbm>>
    %dma_wait3A_16 = arith.constant 0 : i32
    %dma_wait3A_17 = arith.constant 0 : i32
    %dma_wait3A_18 = tpu.memref_slice %arg6[%dma_wait3A, %dma_wait3A_16, %dma_wait3A_17] : memref<2x400x64xf32, #tpu.memory_space<vmem>> -> memref<1x400x64xf32, #tpu.memory_space<vmem>>
    %dma_wait3A_19 = tpu.memref_squeeze %dma_wait3A_18 : memref<1x400x64xf32, #tpu.memory_space<vmem>> -> memref<400x64xf32, #tpu.memory_space<vmem>>
    tpu.wait_dma2 semaphore(%arg9 : memref<!tpu.dma_semaphore, #tpu.memory_space<semaphore_mem>>) src(%dma_wait3A_19 : memref<400x64xf32, #tpu.memory_space<vmem>>) dst(%dma_wait3A_15 : memref<400x64xf32, #tpu.memory_space<hbm>>)
    %dma_wait3A_20 = arith.constant 1 : i32
    %dma_wait3A_21 = arith.constant 0 : i32
    %dma_wait3A_22 = arith.constant 0 : i32
    %dma_wait3A_23 = tpu.memref_slice %arg6[%dma_wait3A_20, %dma_wait3A_21, %dma_wait3A_22] : memref<2x400x64xf32, #tpu.memory_space<vmem>> -> memref<1x400x64xf32, #tpu.memory_space<vmem>>
    %dma_wait3A_24 = tpu.memref_squeeze %dma_wait3A_23 : memref<1x400x64xf32, #tpu.memory_space<vmem>> -> memref<400x64xf32, #tpu.memory_space<vmem>>
    %dma_wait3A_25 = arith.constant 0 : i32
    %dma_wait3A_26 = tpu.memref_slice %arg4[%mul3A_2, %dma_wait3A_25] : memref<640000x64xf32, #tpu.memory_space<hbm>> -> memref<400x64xf32, #tpu.memory_space<hbm>>
    %dma_wait3A_27 = arith.constant 0 : i32
    %dma_wait3A_28 = tpu.memref_slice %arg4[%mul3A_2, %dma_wait3A_27] : memref<640000x64xf32, #tpu.memory_space<hbm>> -> memref<400x64xf32, #tpu.memory_space<hbm>>
    %dma_wait3A_29 = arith.constant 0 : i32
    %dma_wait3A_30 = arith.constant 0 : i32
    %dma_wait3A_31 = tpu.memref_slice %arg6[%dma_wait3A_20, %dma_wait3A_29, %dma_wait3A_30] : memref<2x400x64xf32, #tpu.memory_space<vmem>> -> memref<1x400x64xf32, #tpu.memory_space<vmem>>
    %dma_wait3A_32 = tpu.memref_squeeze %dma_wait3A_31 : memref<1x400x64xf32, #tpu.memory_space<vmem>> -> memref<400x64xf32, #tpu.memory_space<vmem>>
    tpu.wait_dma2 semaphore(%arg10 : memref<!tpu.dma_semaphore, #tpu.memory_space<semaphore_mem>>) src(%dma_wait3A_32 : memref<400x64xf32, #tpu.memory_space<vmem>>) dst(%dma_wait3A_28 : memref<400x64xf32, #tpu.memory_space<hbm>>)
    return
  }
}

#map = affine_map<(d0, d1) -> (0, 0)>
#map1 = affine_map<(d0, d1) -> (0)>
module attributes {stable_mosaic.version = 14 : i64} {
  func.func @gather(%arg0: i32, %arg1: i32, %arg2: memref<160000x64xf32, #tpu.memory_space<hbm>>, %arg3: memref<320000xi32, #tpu.memory_space<hbm>>, %arg4: memref<320000x64xf32, #tpu.memory_space<hbm>>, %arg5: memref<10000xi32, #tpu.memory_space<vmem>>, %arg6: memref<2x200x64xf32, #tpu.memory_space<vmem>>, %arg7: memref<!tpu.dma_semaphore, #tpu.memory_space<semaphore_mem>>, %arg8: memref<!tpu.dma_semaphore, #tpu.memory_space<semaphore_mem>>, %arg9: memref<!tpu.dma_semaphore, #tpu.memory_space<semaphore_mem>>, %arg10: memref<!tpu.dma_semaphore, #tpu.memory_space<semaphore_mem>>) attributes {dimension_semantics = [#tpu.dimension_semantics<core_parallel>, #tpu.dimension_semantics<subcore_parallel>], iteration_bounds = array<i64: 2, 16>, scalar_prefetch = 0 : i64, scratch_operands = 6 : i64, tpu.core_type = #tpu.core_type<sc_vector_subcore>, window_params = [{transform_indices = #map}, {transform_indices = #map1}, {transform_indices = #map}]} {
    %mul3A = arith.constant 2 : i32
    %mul3A_0 = arith.muli %arg1, %mul3A : i32
    %add3A = arith.addi %mul3A_0, %arg0 : i32
    %mul3A_1 = arith.constant 10000 : i32
    %mul3A_2 = arith.muli %add3A, %mul3A_1 : i32
    "tpu.region"() ({
      %run_scoped3A = tpu.sem_alloc : memref<!tpu.dma_semaphore, #tpu.memory_space<semaphore_mem>>
      %dma_start3A = tpu.memref_slice %arg3[%mul3A_2] : memref<320000xi32, #tpu.memory_space<hbm>> -> memref<10000xi32, #tpu.memory_space<hbm>>
      %dma_start3A_33 = tpu.memref_slice %arg3[%mul3A_2] : memref<320000xi32, #tpu.memory_space<hbm>> -> memref<10000xi32, #tpu.memory_space<hbm>>
      tpu.enqueue_dma source(%dma_start3A_33 : memref<10000xi32, #tpu.memory_space<hbm>>) target(%arg5 : memref<10000xi32, #tpu.memory_space<vmem>>) target_semaphore(%run_scoped3A : memref<!tpu.dma_semaphore, #tpu.memory_space<semaphore_mem>>)
      %dma_wait3A_34 = tpu.memref_slice %arg3[%mul3A_2] : memref<320000xi32, #tpu.memory_space<hbm>> -> memref<10000xi32, #tpu.memory_space<hbm>>
      %dma_wait3A_35 = tpu.memref_slice %arg3[%mul3A_2] : memref<320000xi32, #tpu.memory_space<hbm>> -> memref<10000xi32, #tpu.memory_space<hbm>>
      tpu.wait_dma2 semaphore(%run_scoped3A : memref<!tpu.dma_semaphore, #tpu.memory_space<semaphore_mem>>) src(%dma_wait3A_35 : memref<10000xi32, #tpu.memory_space<hbm>>) dst(%arg5 : memref<10000xi32, #tpu.memory_space<vmem>>)
      tpu.yield
    }) : () -> ()
    %scan3A = arith.constant 0 : i32
    %scan3A_3 = arith.constant 0 : i32
    %scan3A_4 = arith.constant 25 : i32
    %scan3A_5 = arith.addi %scan3A_3, %scan3A_4 : i32
    %scan3A_6 = arith.constant 1 : i32
    scf.for %scan3A_33 = %scan3A_3 to %scan3A_5 step %scan3A_6  : i32 {
      %mul3A_34 = arith.constant 2 : i32
      %mul3A_35 = arith.muli %scan3A_33, %mul3A_34 : i32
      %add3A_36 = arith.constant 0 : i32
      %add3A_37 = arith.addi %mul3A_35, %add3A_36 : i32
      %gt3A = arith.constant 0 : i32
      %gt3A_38 = arith.cmpi sgt, %scan3A_33, %gt3A : i32
      %convert_element_type3A = arith.extui %gt3A_38 : i1 to i32
      %cond3A = arith.constant 0 : i32
      %cond3A_39 = arith.cmpi ne, %convert_element_type3A, %cond3A : i32
      scf.if %cond3A_39 {
        %dma_wait3A_120 = arith.constant 0 : i32
        %dma_wait3A_121 = arith.constant 0 : i32
        %dma_wait3A_122 = arith.constant 0 : i32
        %dma_wait3A_123 = tpu.memref_slice %arg6[%dma_wait3A_120, %dma_wait3A_121, %dma_wait3A_122] : memref<2x200x64xf32, #tpu.memory_space<vmem>> -> memref<1x200x64xf32, #tpu.memory_space<vmem>>
        %dma_wait3A_124 = tpu.memref_squeeze %dma_wait3A_123 : memref<1x200x64xf32, #tpu.memory_space<vmem>> -> memref<200x64xf32, #tpu.memory_space<vmem>>
        %dma_wait3A_125 = arith.constant 0 : i32
        %dma_wait3A_126 = tpu.memref_slice %arg4[%mul3A_2, %dma_wait3A_125] : memref<320000x64xf32, #tpu.memory_space<hbm>> -> memref<200x64xf32, #tpu.memory_space<hbm>>
        %dma_wait3A_127 = arith.constant 0 : i32
        %dma_wait3A_128 = tpu.memref_slice %arg4[%mul3A_2, %dma_wait3A_127] : memref<320000x64xf32, #tpu.memory_space<hbm>> -> memref<200x64xf32, #tpu.memory_space<hbm>>
        %dma_wait3A_129 = arith.constant 0 : i32
        %dma_wait3A_130 = arith.constant 0 : i32
        %dma_wait3A_131 = tpu.memref_slice %arg6[%dma_wait3A_120, %dma_wait3A_129, %dma_wait3A_130] : memref<2x200x64xf32, #tpu.memory_space<vmem>> -> memref<1x200x64xf32, #tpu.memory_space<vmem>>
        %dma_wait3A_132 = tpu.memref_squeeze %dma_wait3A_131 : memref<1x200x64xf32, #tpu.memory_space<vmem>> -> memref<200x64xf32, #tpu.memory_space<vmem>>
        tpu.wait_dma2 semaphore(%arg9 : memref<!tpu.dma_semaphore, #tpu.memory_space<semaphore_mem>>) src(%dma_wait3A_132 : memref<200x64xf32, #tpu.memory_space<vmem>>) dst(%dma_wait3A_128 : memref<200x64xf32, #tpu.memory_space<hbm>>)
      } else {
      }
      %mul3A_40 = arith.constant 200 : i32
      %mul3A_41 = arith.muli %add3A_37, %mul3A_40 : i32
      %dma_start3A = arith.constant 0 : i32
      %dma_start3A_42 = arith.constant 0 : i32
      %dma_start3A_43 = arith.constant 0 : i32
      %dma_start3A_44 = tpu.memref_slice %arg6[%dma_start3A, %dma_start3A_42, %dma_start3A_43] : memref<2x200x64xf32, #tpu.memory_space<vmem>> -> memref<1x200x64xf32, #tpu.memory_space<vmem>>
      %dma_start3A_45 = tpu.memref_squeeze %dma_start3A_44 : memref<1x200x64xf32, #tpu.memory_space<vmem>> -> memref<200x64xf32, #tpu.memory_space<vmem>>
      %dma_start3A_46 = tpu.memref_slice %arg5[%mul3A_41] : memref<10000xi32, #tpu.memory_space<vmem>> -> memref<200xi32, #tpu.memory_space<vmem>>
      %dma_start3A_47 = arith.constant 0 : i32
      %dma_start3A_48 = arith.constant 0 : i32
      %dma_start3A_49 = tpu.memref_slice %arg2[%dma_start3A_47, %dma_start3A_48] : memref<160000x64xf32, #tpu.memory_space<hbm>> -> memref<160000x64xf32, #tpu.memory_space<hbm>>
      tpu.enqueue_indirect_dma source(%dma_start3A_49 : memref<160000x64xf32, #tpu.memory_space<hbm>>) target(%dma_start3A_45 : memref<200x64xf32, #tpu.memory_space<vmem>>) offsets(%dma_start3A_46 : memref<200xi32, #tpu.memory_space<vmem>>) semaphore(%arg7 : memref<!tpu.dma_semaphore, #tpu.memory_space<semaphore_mem>>)
      %dma_wait3A_50 = arith.constant 0 : i32
      %dma_wait3A_51 = arith.constant 0 : i32
      %dma_wait3A_52 = arith.constant 0 : i32
      %dma_wait3A_53 = tpu.memref_slice %arg6[%dma_wait3A_50, %dma_wait3A_51, %dma_wait3A_52] : memref<2x200x64xf32, #tpu.memory_space<vmem>> -> memref<1x200x64xf32, #tpu.memory_space<vmem>>
      %dma_wait3A_54 = tpu.memref_squeeze %dma_wait3A_53 : memref<1x200x64xf32, #tpu.memory_space<vmem>> -> memref<200x64xf32, #tpu.memory_space<vmem>>
      %dma_wait3A_55 = tpu.memref_slice %arg5[%mul3A_41] : memref<10000xi32, #tpu.memory_space<vmem>> -> memref<200xi32, #tpu.memory_space<vmem>>
      %dma_wait3A_56 = arith.constant 0 : i32
      %dma_wait3A_57 = arith.constant 0 : i32
      %dma_wait3A_58 = tpu.memref_slice %arg2[%dma_wait3A_56, %dma_wait3A_57] : memref<160000x64xf32, #tpu.memory_space<hbm>> -> memref<160000x64xf32, #tpu.memory_space<hbm>>
      tpu.wait_indirect_dma semaphore(%arg7 : memref<!tpu.dma_semaphore, #tpu.memory_space<semaphore_mem>>) src(%dma_wait3A_58 : memref<160000x64xf32, #tpu.memory_space<hbm>>) dst(%dma_wait3A_54 : memref<200x64xf32, #tpu.memory_space<vmem>>)
      %mul3A_59 = arith.constant 200 : i32
      %mul3A_60 = arith.muli %add3A_37, %mul3A_59 : i32
      %add3A_61 = arith.addi %mul3A_2, %mul3A_60 : i32
      %dma_start3A_62 = arith.constant 0 : i32
      %dma_start3A_63 = arith.constant 0 : i32
      %dma_start3A_64 = arith.constant 0 : i32
      %dma_start3A_65 = tpu.memref_slice %arg6[%dma_start3A_62, %dma_start3A_63, %dma_start3A_64] : memref<2x200x64xf32, #tpu.memory_space<vmem>> -> memref<1x200x64xf32, #tpu.memory_space<vmem>>
      %dma_start3A_66 = tpu.memref_squeeze %dma_start3A_65 : memref<1x200x64xf32, #tpu.memory_space<vmem>> -> memref<200x64xf32, #tpu.memory_space<vmem>>
      %dma_start3A_67 = arith.constant 0 : i32
      %dma_start3A_68 = tpu.memref_slice %arg4[%add3A_61, %dma_start3A_67] : memref<320000x64xf32, #tpu.memory_space<hbm>> -> memref<200x64xf32, #tpu.memory_space<hbm>>
      %dma_start3A_69 = arith.constant 0 : i32
      %dma_start3A_70 = tpu.memref_slice %arg4[%add3A_61, %dma_start3A_69] : memref<320000x64xf32, #tpu.memory_space<hbm>> -> memref<200x64xf32, #tpu.memory_space<hbm>>
      %dma_start3A_71 = arith.constant 0 : i32
      %dma_start3A_72 = arith.constant 0 : i32
      %dma_start3A_73 = tpu.memref_slice %arg6[%dma_start3A_62, %dma_start3A_71, %dma_start3A_72] : memref<2x200x64xf32, #tpu.memory_space<vmem>> -> memref<1x200x64xf32, #tpu.memory_space<vmem>>
      %dma_start3A_74 = tpu.memref_squeeze %dma_start3A_73 : memref<1x200x64xf32, #tpu.memory_space<vmem>> -> memref<200x64xf32, #tpu.memory_space<vmem>>
      tpu.enqueue_dma source(%dma_start3A_74 : memref<200x64xf32, #tpu.memory_space<vmem>>) target(%dma_start3A_70 : memref<200x64xf32, #tpu.memory_space<hbm>>) target_semaphore(%arg9 : memref<!tpu.dma_semaphore, #tpu.memory_space<semaphore_mem>>)
      %mul3A_75 = arith.constant 2 : i32
      %mul3A_76 = arith.muli %scan3A_33, %mul3A_75 : i32
      %add3A_77 = arith.constant 1 : i32
      %add3A_78 = arith.addi %mul3A_76, %add3A_77 : i32
      %gt3A_79 = arith.constant 0 : i32
      %gt3A_80 = arith.cmpi sgt, %scan3A_33, %gt3A_79 : i32
      %convert_element_type3A_81 = arith.extui %gt3A_80 : i1 to i32
      %cond3A_82 = arith.constant 0 : i32
      %cond3A_83 = arith.cmpi ne, %convert_element_type3A_81, %cond3A_82 : i32
      scf.if %cond3A_83 {
        %dma_wait3A_120 = arith.constant 1 : i32
        %dma_wait3A_121 = arith.constant 0 : i32
        %dma_wait3A_122 = arith.constant 0 : i32
        %dma_wait3A_123 = tpu.memref_slice %arg6[%dma_wait3A_120, %dma_wait3A_121, %dma_wait3A_122] : memref<2x200x64xf32, #tpu.memory_space<vmem>> -> memref<1x200x64xf32, #tpu.memory_space<vmem>>
        %dma_wait3A_124 = tpu.memref_squeeze %dma_wait3A_123 : memref<1x200x64xf32, #tpu.memory_space<vmem>> -> memref<200x64xf32, #tpu.memory_space<vmem>>
        %dma_wait3A_125 = arith.constant 0 : i32
        %dma_wait3A_126 = tpu.memref_slice %arg4[%mul3A_2, %dma_wait3A_125] : memref<320000x64xf32, #tpu.memory_space<hbm>> -> memref<200x64xf32, #tpu.memory_space<hbm>>
        %dma_wait3A_127 = arith.constant 0 : i32
        %dma_wait3A_128 = tpu.memref_slice %arg4[%mul3A_2, %dma_wait3A_127] : memref<320000x64xf32, #tpu.memory_space<hbm>> -> memref<200x64xf32, #tpu.memory_space<hbm>>
        %dma_wait3A_129 = arith.constant 0 : i32
        %dma_wait3A_130 = arith.constant 0 : i32
        %dma_wait3A_131 = tpu.memref_slice %arg6[%dma_wait3A_120, %dma_wait3A_129, %dma_wait3A_130] : memref<2x200x64xf32, #tpu.memory_space<vmem>> -> memref<1x200x64xf32, #tpu.memory_space<vmem>>
        %dma_wait3A_132 = tpu.memref_squeeze %dma_wait3A_131 : memref<1x200x64xf32, #tpu.memory_space<vmem>> -> memref<200x64xf32, #tpu.memory_space<vmem>>
        tpu.wait_dma2 semaphore(%arg10 : memref<!tpu.dma_semaphore, #tpu.memory_space<semaphore_mem>>) src(%dma_wait3A_132 : memref<200x64xf32, #tpu.memory_space<vmem>>) dst(%dma_wait3A_128 : memref<200x64xf32, #tpu.memory_space<hbm>>)
      } else {
      }
      %mul3A_84 = arith.constant 200 : i32
      %mul3A_85 = arith.muli %add3A_78, %mul3A_84 : i32
      %dma_start3A_86 = arith.constant 1 : i32
      %dma_start3A_87 = arith.constant 0 : i32
      %dma_start3A_88 = arith.constant 0 : i32
      %dma_start3A_89 = tpu.memref_slice %arg6[%dma_start3A_86, %dma_start3A_87, %dma_start3A_88] : memref<2x200x64xf32, #tpu.memory_space<vmem>> -> memref<1x200x64xf32, #tpu.memory_space<vmem>>
      %dma_start3A_90 = tpu.memref_squeeze %dma_start3A_89 : memref<1x200x64xf32, #tpu.memory_space<vmem>> -> memref<200x64xf32, #tpu.memory_space<vmem>>
      %dma_start3A_91 = tpu.memref_slice %arg5[%mul3A_85] : memref<10000xi32, #tpu.memory_space<vmem>> -> memref<200xi32, #tpu.memory_space<vmem>>
      %dma_start3A_92 = arith.constant 0 : i32
      %dma_start3A_93 = arith.constant 0 : i32
      %dma_start3A_94 = tpu.memref_slice %arg2[%dma_start3A_92, %dma_start3A_93] : memref<160000x64xf32, #tpu.memory_space<hbm>> -> memref<160000x64xf32, #tpu.memory_space<hbm>>
      tpu.enqueue_indirect_dma source(%dma_start3A_94 : memref<160000x64xf32, #tpu.memory_space<hbm>>) target(%dma_start3A_90 : memref<200x64xf32, #tpu.memory_space<vmem>>) offsets(%dma_start3A_91 : memref<200xi32, #tpu.memory_space<vmem>>) semaphore(%arg8 : memref<!tpu.dma_semaphore, #tpu.memory_space<semaphore_mem>>)
      %dma_wait3A_95 = arith.constant 1 : i32
      %dma_wait3A_96 = arith.constant 0 : i32
      %dma_wait3A_97 = arith.constant 0 : i32
      %dma_wait3A_98 = tpu.memref_slice %arg6[%dma_wait3A_95, %dma_wait3A_96, %dma_wait3A_97] : memref<2x200x64xf32, #tpu.memory_space<vmem>> -> memref<1x200x64xf32, #tpu.memory_space<vmem>>
      %dma_wait3A_99 = tpu.memref_squeeze %dma_wait3A_98 : memref<1x200x64xf32, #tpu.memory_space<vmem>> -> memref<200x64xf32, #tpu.memory_space<vmem>>
      %dma_wait3A_100 = tpu.memref_slice %arg5[%mul3A_85] : memref<10000xi32, #tpu.memory_space<vmem>> -> memref<200xi32, #tpu.memory_space<vmem>>
      %dma_wait3A_101 = arith.constant 0 : i32
      %dma_wait3A_102 = arith.constant 0 : i32
      %dma_wait3A_103 = tpu.memref_slice %arg2[%dma_wait3A_101, %dma_wait3A_102] : memref<160000x64xf32, #tpu.memory_space<hbm>> -> memref<160000x64xf32, #tpu.memory_space<hbm>>
      tpu.wait_indirect_dma semaphore(%arg8 : memref<!tpu.dma_semaphore, #tpu.memory_space<semaphore_mem>>) src(%dma_wait3A_103 : memref<160000x64xf32, #tpu.memory_space<hbm>>) dst(%dma_wait3A_99 : memref<200x64xf32, #tpu.memory_space<vmem>>)
      %mul3A_104 = arith.constant 200 : i32
      %mul3A_105 = arith.muli %add3A_78, %mul3A_104 : i32
      %add3A_106 = arith.addi %mul3A_2, %mul3A_105 : i32
      %dma_start3A_107 = arith.constant 1 : i32
      %dma_start3A_108 = arith.constant 0 : i32
      %dma_start3A_109 = arith.constant 0 : i32
      %dma_start3A_110 = tpu.memref_slice %arg6[%dma_start3A_107, %dma_start3A_108, %dma_start3A_109] : memref<2x200x64xf32, #tpu.memory_space<vmem>> -> memref<1x200x64xf32, #tpu.memory_space<vmem>>
      %dma_start3A_111 = tpu.memref_squeeze %dma_start3A_110 : memref<1x200x64xf32, #tpu.memory_space<vmem>> -> memref<200x64xf32, #tpu.memory_space<vmem>>
      %dma_start3A_112 = arith.constant 0 : i32
      %dma_start3A_113 = tpu.memref_slice %arg4[%add3A_106, %dma_start3A_112] : memref<320000x64xf32, #tpu.memory_space<hbm>> -> memref<200x64xf32, #tpu.memory_space<hbm>>
      %dma_start3A_114 = arith.constant 0 : i32
      %dma_start3A_115 = tpu.memref_slice %arg4[%add3A_106, %dma_start3A_114] : memref<320000x64xf32, #tpu.memory_space<hbm>> -> memref<200x64xf32, #tpu.memory_space<hbm>>
      %dma_start3A_116 = arith.constant 0 : i32
      %dma_start3A_117 = arith.constant 0 : i32
      %dma_start3A_118 = tpu.memref_slice %arg6[%dma_start3A_107, %dma_start3A_116, %dma_start3A_117] : memref<2x200x64xf32, #tpu.memory_space<vmem>> -> memref<1x200x64xf32, #tpu.memory_space<vmem>>
      %dma_start3A_119 = tpu.memref_squeeze %dma_start3A_118 : memref<1x200x64xf32, #tpu.memory_space<vmem>> -> memref<200x64xf32, #tpu.memory_space<vmem>>
      tpu.enqueue_dma source(%dma_start3A_119 : memref<200x64xf32, #tpu.memory_space<vmem>>) target(%dma_start3A_115 : memref<200x64xf32, #tpu.memory_space<hbm>>) target_semaphore(%arg10 : memref<!tpu.dma_semaphore, #tpu.memory_space<semaphore_mem>>)
    }
    %scan3A_7 = arith.constant 25 : i32
    %dma_wait3A = arith.constant 0 : i32
    %dma_wait3A_8 = arith.constant 0 : i32
    %dma_wait3A_9 = arith.constant 0 : i32
    %dma_wait3A_10 = tpu.memref_slice %arg6[%dma_wait3A, %dma_wait3A_8, %dma_wait3A_9] : memref<2x200x64xf32, #tpu.memory_space<vmem>> -> memref<1x200x64xf32, #tpu.memory_space<vmem>>
    %dma_wait3A_11 = tpu.memref_squeeze %dma_wait3A_10 : memref<1x200x64xf32, #tpu.memory_space<vmem>> -> memref<200x64xf32, #tpu.memory_space<vmem>>
    %dma_wait3A_12 = arith.constant 0 : i32
    %dma_wait3A_13 = tpu.memref_slice %arg4[%mul3A_2, %dma_wait3A_12] : memref<320000x64xf32, #tpu.memory_space<hbm>> -> memref<200x64xf32, #tpu.memory_space<hbm>>
    %dma_wait3A_14 = arith.constant 0 : i32
    %dma_wait3A_15 = tpu.memref_slice %arg4[%mul3A_2, %dma_wait3A_14] : memref<320000x64xf32, #tpu.memory_space<hbm>> -> memref<200x64xf32, #tpu.memory_space<hbm>>
    %dma_wait3A_16 = arith.constant 0 : i32
    %dma_wait3A_17 = arith.constant 0 : i32
    %dma_wait3A_18 = tpu.memref_slice %arg6[%dma_wait3A, %dma_wait3A_16, %dma_wait3A_17] : memref<2x200x64xf32, #tpu.memory_space<vmem>> -> memref<1x200x64xf32, #tpu.memory_space<vmem>>
    %dma_wait3A_19 = tpu.memref_squeeze %dma_wait3A_18 : memref<1x200x64xf32, #tpu.memory_space<vmem>> -> memref<200x64xf32, #tpu.memory_space<vmem>>
    tpu.wait_dma2 semaphore(%arg9 : memref<!tpu.dma_semaphore, #tpu.memory_space<semaphore_mem>>) src(%dma_wait3A_19 : memref<200x64xf32, #tpu.memory_space<vmem>>) dst(%dma_wait3A_15 : memref<200x64xf32, #tpu.memory_space<hbm>>)
    %dma_wait3A_20 = arith.constant 1 : i32
    %dma_wait3A_21 = arith.constant 0 : i32
    %dma_wait3A_22 = arith.constant 0 : i32
    %dma_wait3A_23 = tpu.memref_slice %arg6[%dma_wait3A_20, %dma_wait3A_21, %dma_wait3A_22] : memref<2x200x64xf32, #tpu.memory_space<vmem>> -> memref<1x200x64xf32, #tpu.memory_space<vmem>>
    %dma_wait3A_24 = tpu.memref_squeeze %dma_wait3A_23 : memref<1x200x64xf32, #tpu.memory_space<vmem>> -> memref<200x64xf32, #tpu.memory_space<vmem>>
    %dma_wait3A_25 = arith.constant 0 : i32
    %dma_wait3A_26 = tpu.memref_slice %arg4[%mul3A_2, %dma_wait3A_25] : memref<320000x64xf32, #tpu.memory_space<hbm>> -> memref<200x64xf32, #tpu.memory_space<hbm>>
    %dma_wait3A_27 = arith.constant 0 : i32
    %dma_wait3A_28 = tpu.memref_slice %arg4[%mul3A_2, %dma_wait3A_27] : memref<320000x64xf32, #tpu.memory_space<hbm>> -> memref<200x64xf32, #tpu.memory_space<hbm>>
    %dma_wait3A_29 = arith.constant 0 : i32
    %dma_wait3A_30 = arith.constant 0 : i32
    %dma_wait3A_31 = tpu.memref_slice %arg6[%dma_wait3A_20, %dma_wait3A_29, %dma_wait3A_30] : memref<2x200x64xf32, #tpu.memory_space<vmem>> -> memref<1x200x64xf32, #tpu.memory_space<vmem>>
    %dma_wait3A_32 = tpu.memref_squeeze %dma_wait3A_31 : memref<1x200x64xf32, #tpu.memory_space<vmem>> -> memref<200x64xf32, #tpu.memory_space<vmem>>
    tpu.wait_dma2 semaphore(%arg10 : memref<!tpu.dma_semaphore, #tpu.memory_space<semaphore_mem>>) src(%dma_wait3A_32 : memref<200x64xf32, #tpu.memory_space<vmem>>) dst(%dma_wait3A_28 : memref<200x64xf32, #tpu.memory_space<hbm>>)
    return
  }
}

#map = affine_map<(d0, d1) -> (0, 0)>
#map1 = affine_map<(d0, d1) -> (0)>
module attributes {stable_mosaic.version = 14 : i64} {
  func.func @gather(%arg0: i32, %arg1: i32, %arg2: memref<160000x64xf32, #tpu.memory_space<hbm>>, %arg3: memref<320000xi32, #tpu.memory_space<hbm>>, %arg4: memref<320000x64xf32, #tpu.memory_space<hbm>>, %arg5: memref<10000xi32, #tpu.memory_space<vmem>>, %arg6: memref<2x200x64xf32, #tpu.memory_space<vmem>>, %arg7: memref<!tpu.dma_semaphore, #tpu.memory_space<semaphore_mem>>, %arg8: memref<!tpu.dma_semaphore, #tpu.memory_space<semaphore_mem>>, %arg9: memref<!tpu.dma_semaphore, #tpu.memory_space<semaphore_mem>>, %arg10: memref<!tpu.dma_semaphore, #tpu.memory_space<semaphore_mem>>) attributes {dimension_semantics = [#tpu.dimension_semantics<core_parallel>, #tpu.dimension_semantics<subcore_parallel>], iteration_bounds = array<i64: 2, 16>, scalar_prefetch = 0 : i64, scratch_operands = 6 : i64, tpu.core_type = #tpu.core_type<sc_vector_subcore>, window_params = [{transform_indices = #map}, {transform_indices = #map1}, {transform_indices = #map}]} {
    %mul3A = arith.constant 2 : i32
    %mul3A_0 = arith.muli %arg1, %mul3A : i32
    %add3A = arith.addi %mul3A_0, %arg0 : i32
    %mul3A_1 = arith.constant 10000 : i32
    %mul3A_2 = arith.muli %add3A, %mul3A_1 : i32
    "tpu.region"() ({
      %run_scoped3A = tpu.sem_alloc : memref<!tpu.dma_semaphore, #tpu.memory_space<semaphore_mem>>
      %dma_start3A = tpu.memref_slice %arg3[%mul3A_2] : memref<320000xi32, #tpu.memory_space<hbm>> -> memref<10000xi32, #tpu.memory_space<hbm>>
      %dma_start3A_33 = tpu.memref_slice %arg3[%mul3A_2] : memref<320000xi32, #tpu.memory_space<hbm>> -> memref<10000xi32, #tpu.memory_space<hbm>>
      tpu.enqueue_dma source(%dma_start3A_33 : memref<10000xi32, #tpu.memory_space<hbm>>) target(%arg5 : memref<10000xi32, #tpu.memory_space<vmem>>) target_semaphore(%run_scoped3A : memref<!tpu.dma_semaphore, #tpu.memory_space<semaphore_mem>>)
      %dma_wait3A_34 = tpu.memref_slice %arg3[%mul3A_2] : memref<320000xi32, #tpu.memory_space<hbm>> -> memref<10000xi32, #tpu.memory_space<hbm>>
      %dma_wait3A_35 = tpu.memref_slice %arg3[%mul3A_2] : memref<320000xi32, #tpu.memory_space<hbm>> -> memref<10000xi32, #tpu.memory_space<hbm>>
      tpu.wait_dma2 semaphore(%run_scoped3A : memref<!tpu.dma_semaphore, #tpu.memory_space<semaphore_mem>>) src(%dma_wait3A_35 : memref<10000xi32, #tpu.memory_space<hbm>>) dst(%arg5 : memref<10000xi32, #tpu.memory_space<vmem>>)
      tpu.yield
    }) : () -> ()
    %scan3A = arith.constant 0 : i32
    %scan3A_3 = arith.constant 0 : i32
    %scan3A_4 = arith.constant 25 : i32
    %scan3A_5 = arith.addi %scan3A_3, %scan3A_4 : i32
    %scan3A_6 = arith.constant 1 : i32
    scf.for %scan3A_33 = %scan3A_3 to %scan3A_5 step %scan3A_6  : i32 {
      %mul3A_34 = arith.constant 2 : i32
      %mul3A_35 = arith.muli %scan3A_33, %mul3A_34 : i32
      %add3A_36 = arith.constant 0 : i32
      %add3A_37 = arith.addi %mul3A_35, %add3A_36 : i32
      %gt3A = arith.constant 0 : i32
      %gt3A_38 = arith.cmpi sgt, %scan3A_33, %gt3A : i32
      %convert_element_type3A = arith.extui %gt3A_38 : i1 to i32
      %cond3A = arith.constant 0 : i32
      %cond3A_39 = arith.cmpi ne, %convert_element_type3A, %cond3A : i32
      scf.if %cond3A_39 {
        %dma_wait3A_120 = arith.constant 0 : i32
        %dma_wait3A_121 = arith.constant 0 : i32
        %dma_wait3A_122 = arith.constant 0 : i32
        %dma_wait3A_123 = tpu.memref_slice %arg6[%dma_wait3A_120, %dma_wait3A_121, %dma_wait3A_122] : memref<2x200x64xf32, #tpu.memory_space<vmem>> -> memref<1x200x64xf32, #tpu.memory_space<vmem>>
        %dma_wait3A_124 = tpu.memref_squeeze %dma_wait3A_123 : memref<1x200x64xf32, #tpu.memory_space<vmem>> -> memref<200x64xf32, #tpu.memory_space<vmem>>
        %dma_wait3A_125 = arith.constant 0 : i32
        %dma_wait3A_126 = tpu.memref_slice %arg4[%mul3A_2, %dma_wait3A_125] : memref<320000x64xf32, #tpu.memory_space<hbm>> -> memref<200x64xf32, #tpu.memory_space<hbm>>
        %dma_wait3A_127 = arith.constant 0 : i32
        %dma_wait3A_128 = tpu.memref_slice %arg4[%mul3A_2, %dma_wait3A_127] : memref<320000x64xf32, #tpu.memory_space<hbm>> -> memref<200x64xf32, #tpu.memory_space<hbm>>
        %dma_wait3A_129 = arith.constant 0 : i32
        %dma_wait3A_130 = arith.constant 0 : i32
        %dma_wait3A_131 = tpu.memref_slice %arg6[%dma_wait3A_120, %dma_wait3A_129, %dma_wait3A_130] : memref<2x200x64xf32, #tpu.memory_space<vmem>> -> memref<1x200x64xf32, #tpu.memory_space<vmem>>
        %dma_wait3A_132 = tpu.memref_squeeze %dma_wait3A_131 : memref<1x200x64xf32, #tpu.memory_space<vmem>> -> memref<200x64xf32, #tpu.memory_space<vmem>>
        tpu.wait_dma2 semaphore(%arg9 : memref<!tpu.dma_semaphore, #tpu.memory_space<semaphore_mem>>) src(%dma_wait3A_132 : memref<200x64xf32, #tpu.memory_space<vmem>>) dst(%dma_wait3A_128 : memref<200x64xf32, #tpu.memory_space<hbm>>)
      } else {
      }
      %mul3A_40 = arith.constant 200 : i32
      %mul3A_41 = arith.muli %add3A_37, %mul3A_40 : i32
      %dma_start3A = arith.constant 0 : i32
      %dma_start3A_42 = arith.constant 0 : i32
      %dma_start3A_43 = arith.constant 0 : i32
      %dma_start3A_44 = tpu.memref_slice %arg6[%dma_start3A, %dma_start3A_42, %dma_start3A_43] : memref<2x200x64xf32, #tpu.memory_space<vmem>> -> memref<1x200x64xf32, #tpu.memory_space<vmem>>
      %dma_start3A_45 = tpu.memref_squeeze %dma_start3A_44 : memref<1x200x64xf32, #tpu.memory_space<vmem>> -> memref<200x64xf32, #tpu.memory_space<vmem>>
      %dma_start3A_46 = tpu.memref_slice %arg5[%mul3A_41] : memref<10000xi32, #tpu.memory_space<vmem>> -> memref<200xi32, #tpu.memory_space<vmem>>
      %dma_start3A_47 = arith.constant 0 : i32
      %dma_start3A_48 = arith.constant 0 : i32
      %dma_start3A_49 = tpu.memref_slice %arg2[%dma_start3A_47, %dma_start3A_48] : memref<160000x64xf32, #tpu.memory_space<hbm>> -> memref<160000x64xf32, #tpu.memory_space<hbm>>
      tpu.enqueue_indirect_dma source(%dma_start3A_49 : memref<160000x64xf32, #tpu.memory_space<hbm>>) target(%dma_start3A_45 : memref<200x64xf32, #tpu.memory_space<vmem>>) offsets(%dma_start3A_46 : memref<200xi32, #tpu.memory_space<vmem>>) semaphore(%arg7 : memref<!tpu.dma_semaphore, #tpu.memory_space<semaphore_mem>>)
      %dma_wait3A_50 = arith.constant 0 : i32
      %dma_wait3A_51 = arith.constant 0 : i32
      %dma_wait3A_52 = arith.constant 0 : i32
      %dma_wait3A_53 = tpu.memref_slice %arg6[%dma_wait3A_50, %dma_wait3A_51, %dma_wait3A_52] : memref<2x200x64xf32, #tpu.memory_space<vmem>> -> memref<1x200x64xf32, #tpu.memory_space<vmem>>
      %dma_wait3A_54 = tpu.memref_squeeze %dma_wait3A_53 : memref<1x200x64xf32, #tpu.memory_space<vmem>> -> memref<200x64xf32, #tpu.memory_space<vmem>>
      %dma_wait3A_55 = tpu.memref_slice %arg5[%mul3A_41] : memref<10000xi32, #tpu.memory_space<vmem>> -> memref<200xi32, #tpu.memory_space<vmem>>
      %dma_wait3A_56 = arith.constant 0 : i32
      %dma_wait3A_57 = arith.constant 0 : i32
      %dma_wait3A_58 = tpu.memref_slice %arg2[%dma_wait3A_56, %dma_wait3A_57] : memref<160000x64xf32, #tpu.memory_space<hbm>> -> memref<160000x64xf32, #tpu.memory_space<hbm>>
      tpu.wait_indirect_dma semaphore(%arg7 : memref<!tpu.dma_semaphore, #tpu.memory_space<semaphore_mem>>) src(%dma_wait3A_58 : memref<160000x64xf32, #tpu.memory_space<hbm>>) dst(%dma_wait3A_54 : memref<200x64xf32, #tpu.memory_space<vmem>>)
      %mul3A_59 = arith.constant 200 : i32
      %mul3A_60 = arith.muli %add3A_37, %mul3A_59 : i32
      %add3A_61 = arith.addi %mul3A_2, %mul3A_60 : i32
      %dma_start3A_62 = arith.constant 0 : i32
      %dma_start3A_63 = arith.constant 0 : i32
      %dma_start3A_64 = arith.constant 0 : i32
      %dma_start3A_65 = tpu.memref_slice %arg6[%dma_start3A_62, %dma_start3A_63, %dma_start3A_64] : memref<2x200x64xf32, #tpu.memory_space<vmem>> -> memref<1x200x64xf32, #tpu.memory_space<vmem>>
      %dma_start3A_66 = tpu.memref_squeeze %dma_start3A_65 : memref<1x200x64xf32, #tpu.memory_space<vmem>> -> memref<200x64xf32, #tpu.memory_space<vmem>>
      %dma_start3A_67 = arith.constant 0 : i32
      %dma_start3A_68 = tpu.memref_slice %arg4[%add3A_61, %dma_start3A_67] : memref<320000x64xf32, #tpu.memory_space<hbm>> -> memref<200x64xf32, #tpu.memory_space<hbm>>
      %dma_start3A_69 = arith.constant 0 : i32
      %dma_start3A_70 = tpu.memref_slice %arg4[%add3A_61, %dma_start3A_69] : memref<320000x64xf32, #tpu.memory_space<hbm>> -> memref<200x64xf32, #tpu.memory_space<hbm>>
      %dma_start3A_71 = arith.constant 0 : i32
      %dma_start3A_72 = arith.constant 0 : i32
      %dma_start3A_73 = tpu.memref_slice %arg6[%dma_start3A_62, %dma_start3A_71, %dma_start3A_72] : memref<2x200x64xf32, #tpu.memory_space<vmem>> -> memref<1x200x64xf32, #tpu.memory_space<vmem>>
      %dma_start3A_74 = tpu.memref_squeeze %dma_start3A_73 : memref<1x200x64xf32, #tpu.memory_space<vmem>> -> memref<200x64xf32, #tpu.memory_space<vmem>>
      tpu.enqueue_dma source(%dma_start3A_74 : memref<200x64xf32, #tpu.memory_space<vmem>>) target(%dma_start3A_70 : memref<200x64xf32, #tpu.memory_space<hbm>>) target_semaphore(%arg9 : memref<!tpu.dma_semaphore, #tpu.memory_space<semaphore_mem>>)
      %mul3A_75 = arith.constant 2 : i32
      %mul3A_76 = arith.muli %scan3A_33, %mul3A_75 : i32
      %add3A_77 = arith.constant 1 : i32
      %add3A_78 = arith.addi %mul3A_76, %add3A_77 : i32
      %gt3A_79 = arith.constant 0 : i32
      %gt3A_80 = arith.cmpi sgt, %scan3A_33, %gt3A_79 : i32
      %convert_element_type3A_81 = arith.extui %gt3A_80 : i1 to i32
      %cond3A_82 = arith.constant 0 : i32
      %cond3A_83 = arith.cmpi ne, %convert_element_type3A_81, %cond3A_82 : i32
      scf.if %cond3A_83 {
        %dma_wait3A_120 = arith.constant 1 : i32
        %dma_wait3A_121 = arith.constant 0 : i32
        %dma_wait3A_122 = arith.constant 0 : i32
        %dma_wait3A_123 = tpu.memref_slice %arg6[%dma_wait3A_120, %dma_wait3A_121, %dma_wait3A_122] : memref<2x200x64xf32, #tpu.memory_space<vmem>> -> memref<1x200x64xf32, #tpu.memory_space<vmem>>
        %dma_wait3A_124 = tpu.memref_squeeze %dma_wait3A_123 : memref<1x200x64xf32, #tpu.memory_space<vmem>> -> memref<200x64xf32, #tpu.memory_space<vmem>>
        %dma_wait3A_125 = arith.constant 0 : i32
        %dma_wait3A_126 = tpu.memref_slice %arg4[%mul3A_2, %dma_wait3A_125] : memref<320000x64xf32, #tpu.memory_space<hbm>> -> memref<200x64xf32, #tpu.memory_space<hbm>>
        %dma_wait3A_127 = arith.constant 0 : i32
        %dma_wait3A_128 = tpu.memref_slice %arg4[%mul3A_2, %dma_wait3A_127] : memref<320000x64xf32, #tpu.memory_space<hbm>> -> memref<200x64xf32, #tpu.memory_space<hbm>>
        %dma_wait3A_129 = arith.constant 0 : i32
        %dma_wait3A_130 = arith.constant 0 : i32
        %dma_wait3A_131 = tpu.memref_slice %arg6[%dma_wait3A_120, %dma_wait3A_129, %dma_wait3A_130] : memref<2x200x64xf32, #tpu.memory_space<vmem>> -> memref<1x200x64xf32, #tpu.memory_space<vmem>>
        %dma_wait3A_132 = tpu.memref_squeeze %dma_wait3A_131 : memref<1x200x64xf32, #tpu.memory_space<vmem>> -> memref<200x64xf32, #tpu.memory_space<vmem>>
        tpu.wait_dma2 semaphore(%arg10 : memref<!tpu.dma_semaphore, #tpu.memory_space<semaphore_mem>>) src(%dma_wait3A_132 : memref<200x64xf32, #tpu.memory_space<vmem>>) dst(%dma_wait3A_128 : memref<200x64xf32, #tpu.memory_space<hbm>>)
      } else {
      }
      %mul3A_84 = arith.constant 200 : i32
      %mul3A_85 = arith.muli %add3A_78, %mul3A_84 : i32
      %dma_start3A_86 = arith.constant 1 : i32
      %dma_start3A_87 = arith.constant 0 : i32
      %dma_start3A_88 = arith.constant 0 : i32
      %dma_start3A_89 = tpu.memref_slice %arg6[%dma_start3A_86, %dma_start3A_87, %dma_start3A_88] : memref<2x200x64xf32, #tpu.memory_space<vmem>> -> memref<1x200x64xf32, #tpu.memory_space<vmem>>
      %dma_start3A_90 = tpu.memref_squeeze %dma_start3A_89 : memref<1x200x64xf32, #tpu.memory_space<vmem>> -> memref<200x64xf32, #tpu.memory_space<vmem>>
      %dma_start3A_91 = tpu.memref_slice %arg5[%mul3A_85] : memref<10000xi32, #tpu.memory_space<vmem>> -> memref<200xi32, #tpu.memory_space<vmem>>
      %dma_start3A_92 = arith.constant 0 : i32
      %dma_start3A_93 = arith.constant 0 : i32
      %dma_start3A_94 = tpu.memref_slice %arg2[%dma_start3A_92, %dma_start3A_93] : memref<160000x64xf32, #tpu.memory_space<hbm>> -> memref<160000x64xf32, #tpu.memory_space<hbm>>
      tpu.enqueue_indirect_dma source(%dma_start3A_94 : memref<160000x64xf32, #tpu.memory_space<hbm>>) target(%dma_start3A_90 : memref<200x64xf32, #tpu.memory_space<vmem>>) offsets(%dma_start3A_91 : memref<200xi32, #tpu.memory_space<vmem>>) semaphore(%arg8 : memref<!tpu.dma_semaphore, #tpu.memory_space<semaphore_mem>>)
      %dma_wait3A_95 = arith.constant 1 : i32
      %dma_wait3A_96 = arith.constant 0 : i32
      %dma_wait3A_97 = arith.constant 0 : i32
      %dma_wait3A_98 = tpu.memref_slice %arg6[%dma_wait3A_95, %dma_wait3A_96, %dma_wait3A_97] : memref<2x200x64xf32, #tpu.memory_space<vmem>> -> memref<1x200x64xf32, #tpu.memory_space<vmem>>
      %dma_wait3A_99 = tpu.memref_squeeze %dma_wait3A_98 : memref<1x200x64xf32, #tpu.memory_space<vmem>> -> memref<200x64xf32, #tpu.memory_space<vmem>>
      %dma_wait3A_100 = tpu.memref_slice %arg5[%mul3A_85] : memref<10000xi32, #tpu.memory_space<vmem>> -> memref<200xi32, #tpu.memory_space<vmem>>
      %dma_wait3A_101 = arith.constant 0 : i32
      %dma_wait3A_102 = arith.constant 0 : i32
      %dma_wait3A_103 = tpu.memref_slice %arg2[%dma_wait3A_101, %dma_wait3A_102] : memref<160000x64xf32, #tpu.memory_space<hbm>> -> memref<160000x64xf32, #tpu.memory_space<hbm>>
      tpu.wait_indirect_dma semaphore(%arg8 : memref<!tpu.dma_semaphore, #tpu.memory_space<semaphore_mem>>) src(%dma_wait3A_103 : memref<160000x64xf32, #tpu.memory_space<hbm>>) dst(%dma_wait3A_99 : memref<200x64xf32, #tpu.memory_space<vmem>>)
      %mul3A_104 = arith.constant 200 : i32
      %mul3A_105 = arith.muli %add3A_78, %mul3A_104 : i32
      %add3A_106 = arith.addi %mul3A_2, %mul3A_105 : i32
      %dma_start3A_107 = arith.constant 1 : i32
      %dma_start3A_108 = arith.constant 0 : i32
      %dma_start3A_109 = arith.constant 0 : i32
      %dma_start3A_110 = tpu.memref_slice %arg6[%dma_start3A_107, %dma_start3A_108, %dma_start3A_109] : memref<2x200x64xf32, #tpu.memory_space<vmem>> -> memref<1x200x64xf32, #tpu.memory_space<vmem>>
      %dma_start3A_111 = tpu.memref_squeeze %dma_start3A_110 : memref<1x200x64xf32, #tpu.memory_space<vmem>> -> memref<200x64xf32, #tpu.memory_space<vmem>>
      %dma_start3A_112 = arith.constant 0 : i32
      %dma_start3A_113 = tpu.memref_slice %arg4[%add3A_106, %dma_start3A_112] : memref<320000x64xf32, #tpu.memory_space<hbm>> -> memref<200x64xf32, #tpu.memory_space<hbm>>
      %dma_start3A_114 = arith.constant 0 : i32
      %dma_start3A_115 = tpu.memref_slice %arg4[%add3A_106, %dma_start3A_114] : memref<320000x64xf32, #tpu.memory_space<hbm>> -> memref<200x64xf32, #tpu.memory_space<hbm>>
      %dma_start3A_116 = arith.constant 0 : i32
      %dma_start3A_117 = arith.constant 0 : i32
      %dma_start3A_118 = tpu.memref_slice %arg6[%dma_start3A_107, %dma_start3A_116, %dma_start3A_117] : memref<2x200x64xf32, #tpu.memory_space<vmem>> -> memref<1x200x64xf32, #tpu.memory_space<vmem>>
      %dma_start3A_119 = tpu.memref_squeeze %dma_start3A_118 : memref<1x200x64xf32, #tpu.memory_space<vmem>> -> memref<200x64xf32, #tpu.memory_space<vmem>>
      tpu.enqueue_dma source(%dma_start3A_119 : memref<200x64xf32, #tpu.memory_space<vmem>>) target(%dma_start3A_115 : memref<200x64xf32, #tpu.memory_space<hbm>>) target_semaphore(%arg10 : memref<!tpu.dma_semaphore, #tpu.memory_space<semaphore_mem>>)
    }
    %scan3A_7 = arith.constant 25 : i32
    %dma_wait3A = arith.constant 0 : i32
    %dma_wait3A_8 = arith.constant 0 : i32
    %dma_wait3A_9 = arith.constant 0 : i32
    %dma_wait3A_10 = tpu.memref_slice %arg6[%dma_wait3A, %dma_wait3A_8, %dma_wait3A_9] : memref<2x200x64xf32, #tpu.memory_space<vmem>> -> memref<1x200x64xf32, #tpu.memory_space<vmem>>
    %dma_wait3A_11 = tpu.memref_squeeze %dma_wait3A_10 : memref<1x200x64xf32, #tpu.memory_space<vmem>> -> memref<200x64xf32, #tpu.memory_space<vmem>>
    %dma_wait3A_12 = arith.constant 0 : i32
    %dma_wait3A_13 = tpu.memref_slice %arg4[%mul3A_2, %dma_wait3A_12] : memref<320000x64xf32, #tpu.memory_space<hbm>> -> memref<200x64xf32, #tpu.memory_space<hbm>>
    %dma_wait3A_14 = arith.constant 0 : i32
    %dma_wait3A_15 = tpu.memref_slice %arg4[%mul3A_2, %dma_wait3A_14] : memref<320000x64xf32, #tpu.memory_space<hbm>> -> memref<200x64xf32, #tpu.memory_space<hbm>>
    %dma_wait3A_16 = arith.constant 0 : i32
    %dma_wait3A_17 = arith.constant 0 : i32
    %dma_wait3A_18 = tpu.memref_slice %arg6[%dma_wait3A, %dma_wait3A_16, %dma_wait3A_17] : memref<2x200x64xf32, #tpu.memory_space<vmem>> -> memref<1x200x64xf32, #tpu.memory_space<vmem>>
    %dma_wait3A_19 = tpu.memref_squeeze %dma_wait3A_18 : memref<1x200x64xf32, #tpu.memory_space<vmem>> -> memref<200x64xf32, #tpu.memory_space<vmem>>
    tpu.wait_dma2 semaphore(%arg9 : memref<!tpu.dma_semaphore, #tpu.memory_space<semaphore_mem>>) src(%dma_wait3A_19 : memref<200x64xf32, #tpu.memory_space<vmem>>) dst(%dma_wait3A_15 : memref<200x64xf32, #tpu.memory_space<hbm>>)
    %dma_wait3A_20 = arith.constant 1 : i32
    %dma_wait3A_21 = arith.constant 0 : i32
    %dma_wait3A_22 = arith.constant 0 : i32
    %dma_wait3A_23 = tpu.memref_slice %arg6[%dma_wait3A_20, %dma_wait3A_21, %dma_wait3A_22] : memref<2x200x64xf32, #tpu.memory_space<vmem>> -> memref<1x200x64xf32, #tpu.memory_space<vmem>>
    %dma_wait3A_24 = tpu.memref_squeeze %dma_wait3A_23 : memref<1x200x64xf32, #tpu.memory_space<vmem>> -> memref<200x64xf32, #tpu.memory_space<vmem>>
    %dma_wait3A_25 = arith.constant 0 : i32
    %dma_wait3A_26 = tpu.memref_slice %arg4[%mul3A_2, %dma_wait3A_25] : memref<320000x64xf32, #tpu.memory_space<hbm>> -> memref<200x64xf32, #tpu.memory_space<hbm>>
    %dma_wait3A_27 = arith.constant 0 : i32
    %dma_wait3A_28 = tpu.memref_slice %arg4[%mul3A_2, %dma_wait3A_27] : memref<320000x64xf32, #tpu.memory_space<hbm>> -> memref<200x64xf32, #tpu.memory_space<hbm>>
    %dma_wait3A_29 = arith.constant 0 : i32
    %dma_wait3A_30 = arith.constant 0 : i32
    %dma_wait3A_31 = tpu.memref_slice %arg6[%dma_wait3A_20, %dma_wait3A_29, %dma_wait3A_30] : memref<2x200x64xf32, #tpu.memory_space<vmem>> -> memref<1x200x64xf32, #tpu.memory_space<vmem>>
    %dma_wait3A_32 = tpu.memref_squeeze %dma_wait3A_31 : memref<1x200x64xf32, #tpu.memory_space<vmem>> -> memref<200x64xf32, #tpu.memory_space<vmem>>
    tpu.wait_dma2 semaphore(%arg10 : memref<!tpu.dma_semaphore, #tpu.memory_space<semaphore_mem>>) src(%dma_wait3A_32 : memref<200x64xf32, #tpu.memory_space<vmem>>) dst(%dma_wait3A_28 : memref<200x64xf32, #tpu.memory_space<hbm>>)
    return
  }
}

module attributes {stable_mosaic.version = 14 : i64} {
  func.func @_precompute_body(%arg0: i32, %arg1: memref<1000x256xf32, #tpu.memory_space<vmem>>, %arg2: memref<256x128xf32, #tpu.memory_space<vmem>>, %arg3: memref<256x128xf32, #tpu.memory_space<vmem>>, %arg4: memref<256x128xf32, #tpu.memory_space<vmem>>, %arg5: memref<1x128xf32, #tpu.memory_space<vmem>>, %arg6: memref<1x128xf32, #tpu.memory_space<vmem>>, %arg7: memref<1000x128xbf16, #tpu.memory_space<vmem>>, %arg8: memref<1000x128xbf16, #tpu.memory_space<vmem>>, %arg9: memref<1000x128xbf16, #tpu.memory_space<vmem>>, %arg10: memref<1000x128xf32, #tpu.memory_space<vmem>>) attributes {dimension_semantics = [#tpu.dimension_semantics<parallel>], iteration_bounds = array<i64: 80>, scalar_prefetch = 0 : i64, scratch_operands = 0 : i64, tpu.core_type = #tpu.core_type<tc>, window_params = [{transform_indices = @transform_0, window_bounds = array<i64: 1000, 256>}, {pipeline_mode = #tpu.pipeline_mode<synchronous>, transform_indices = @transform_1, window_bounds = array<i64: 256, 128>}, {pipeline_mode = #tpu.pipeline_mode<synchronous>, transform_indices = @transform_2, window_bounds = array<i64: 256, 128>}, {pipeline_mode = #tpu.pipeline_mode<synchronous>, transform_indices = @transform_3, window_bounds = array<i64: 256, 128>}, {pipeline_mode = #tpu.pipeline_mode<synchronous>, transform_indices = @transform_4, window_bounds = array<i64: 1, 128>}, {pipeline_mode = #tpu.pipeline_mode<synchronous>, transform_indices = @transform_5, window_bounds = array<i64: 1, 128>}, {transform_indices = @transform_6, window_bounds = array<i64: 1000, 128>}, {transform_indices = @transform_7, window_bounds = array<i64: 1000, 128>}, {transform_indices = @transform_8, window_bounds = array<i64: 1000, 128>}, {transform_indices = @transform_9, window_bounds = array<i64: 1000, 128>}]} {
    %get3A = arith.constant 0 : index
    %get3A_0 = arith.constant 0 : index
    %get3A_1 = vector.load %arg1[%get3A, %get3A_0] : memref<1000x256xf32, #tpu.memory_space<vmem>>, vector<1000x256xf32>
    %get3A_2 = arith.constant 0 : index
    %get3A_3 = arith.constant 0 : index
    %get3A_4 = vector.load %arg2[%get3A_2, %get3A_3] : memref<256x128xf32, #tpu.memory_space<vmem>>, vector<256x128xf32>
    %dot_general3A = arith.constant dense<0.000000e+00> : vector<1000x128xf32>
    %dot_general3A_5 = tpu.matmul %get3A_1, %get3A_4, %dot_general3A {dimension_numbers = #tpu.dot_dimension_numbers<[1], [0], [0], [1], [0, 0, 1, 1], [], []>, transpose_lhs_hint = false} : vector<1000x256xf32>, vector<256x128xf32>, vector<1000x128xf32> -> vector<1000x128xf32>
    %get3A_6 = arith.constant 0 : index
    %get3A_7 = arith.constant 0 : index
    %get3A_8 = vector.load %arg3[%get3A_6, %get3A_7] : memref<256x128xf32, #tpu.memory_space<vmem>>, vector<256x128xf32>
    %dot_general3A_9 = arith.constant dense<0.000000e+00> : vector<1000x128xf32>
    %dot_general3A_10 = tpu.matmul %get3A_1, %get3A_8, %dot_general3A_9 {dimension_numbers = #tpu.dot_dimension_numbers<[1], [0], [0], [1], [0, 0, 1, 1], [], []>, transpose_lhs_hint = false} : vector<1000x256xf32>, vector<256x128xf32>, vector<1000x128xf32> -> vector<1000x128xf32>
    %get3A_11 = arith.constant 0 : index
    %get3A_12 = arith.constant 0 : index
    %get3A_13 = vector.load %arg4[%get3A_11, %get3A_12] : memref<256x128xf32, #tpu.memory_space<vmem>>, vector<256x128xf32>
    %dot_general3A_14 = arith.constant dense<0.000000e+00> : vector<1000x128xf32>
    %dot_general3A_15 = tpu.matmul %get3A_1, %get3A_13, %dot_general3A_14 {dimension_numbers = #tpu.dot_dimension_numbers<[1], [0], [0], [1], [0, 0, 1, 1], [], []>, transpose_lhs_hint = false} : vector<1000x256xf32>, vector<256x128xf32>, vector<1000x128xf32> -> vector<1000x128xf32>
    %convert_element_type3A = arith.truncf %dot_general3A_5 : vector<1000x128xf32> to vector<1000x128xbf16>
    %swap3A = arith.constant 0 : index
    %swap3A_16 = arith.constant 0 : index
    %swap3A_17 = vector.load %arg7[%swap3A, %swap3A_16] : memref<1000x128xbf16, #tpu.memory_space<vmem>>, vector<1000x128xbf16>
    tpu.vector_store %arg7[%swap3A, %swap3A_16], %convert_element_type3A {strides = array<i32>} : memref<1000x128xbf16, #tpu.memory_space<vmem>>, vector<1000x128xbf16>,
    %convert_element_type3A_18 = arith.truncf %dot_general3A_10 : vector<1000x128xf32> to vector<1000x128xbf16>
    %swap3A_19 = arith.constant 0 : index
    %swap3A_20 = arith.constant 0 : index
    %swap3A_21 = vector.load %arg8[%swap3A_19, %swap3A_20] : memref<1000x128xbf16, #tpu.memory_space<vmem>>, vector<1000x128xbf16>
    tpu.vector_store %arg8[%swap3A_19, %swap3A_20], %convert_element_type3A_18 {strides = array<i32>} : memref<1000x128xbf16, #tpu.memory_space<vmem>>, vector<1000x128xbf16>,
    %convert_element_type3A_22 = arith.truncf %dot_general3A_15 : vector<1000x128xf32> to vector<1000x128xbf16>
    %swap3A_23 = arith.constant 0 : index
    %swap3A_24 = arith.constant 0 : index
    %swap3A_25 = vector.load %arg9[%swap3A_23, %swap3A_24] : memref<1000x128xbf16, #tpu.memory_space<vmem>>, vector<1000x128xbf16>
    tpu.vector_store %arg9[%swap3A_23, %swap3A_24], %convert_element_type3A_22 {strides = array<i32>} : memref<1000x128xbf16, #tpu.memory_space<vmem>>, vector<1000x128xbf16>,
    %get3A_26 = arith.constant 0 : index
    %get3A_27 = arith.constant 0 : index
    %get3A_28 = vector.load %arg5[%get3A_26, %get3A_27] : memref<1x128xf32, #tpu.memory_space<vmem>>, vector<1x128xf32>
    %add3A = vector.broadcast %get3A_28 : vector<1x128xf32> to vector<1000x128xf32>
    %add3A_29 = arith.addf %dot_general3A_5, %add3A : vector<1000x128xf32>
    %logistic3A = arith.negf %add3A_29 : vector<1000x128xf32>
    %logistic3A_30 = math.exp %logistic3A : vector<1000x128xf32>
    %logistic3A_31 = arith.constant 1.000000e+00 : f32
    %logistic3A_32 = vector.broadcast %logistic3A_31 : f32 to vector<1000x128xf32>
    %logistic3A_33 = arith.addf %logistic3A_32, %logistic3A_30 : vector<1000x128xf32>
    %logistic3A_34 = arith.divf %logistic3A_32, %logistic3A_33 : vector<1000x128xf32>
    %get3A_35 = arith.constant 0 : index
    %get3A_36 = arith.constant 0 : index
    %get3A_37 = vector.load %arg6[%get3A_35, %get3A_36] : memref<1x128xf32, #tpu.memory_space<vmem>>, vector<1x128xf32>
    %add3A_38 = vector.broadcast %get3A_37 : vector<1x128xf32> to vector<1000x128xf32>
    %add3A_39 = arith.addf %dot_general3A_15, %add3A_38 : vector<1000x128xf32>
    %tanh3A = math.tanh %add3A_39 : vector<1000x128xf32>
    %mul3A = arith.mulf %logistic3A_34, %tanh3A : vector<1000x128xf32>
    %iota3A = tpu.iota {dimensions = array<i32: 0>} : vector<1000x128xi32>
    %mul3A_40 = arith.constant 1000 : i32
    %mul3A_41 = arith.muli %arg0, %mul3A_40 : i32
    %add3A_42 = vector.broadcast %mul3A_41 : i32 to vector<1000x128xi32>
    %add3A_43 = arith.addi %iota3A, %add3A_42 : vector<1000x128xi32>
    %iota3A_44 = tpu.iota {dimensions = array<i32: 1>} : vector<1000x128xi32>
    %eq3A = arith.constant 0 : i32
    %eq3A_45 = vector.broadcast %eq3A : i32 to vector<1000x128xi32>
    %eq3A_46 = arith.cmpi eq, %add3A_43, %eq3A_45 : vector<1000x128xi32>
    %lt3A = arith.constant 64 : i32
    %lt3A_47 = vector.broadcast %lt3A : i32 to vector<1000x128xi32>
    %lt3A_48 = arith.cmpi slt, %iota3A_44, %lt3A_47 : vector<1000x128xi32>
    %and3A = arith.andi %eq3A_46, %lt3A_48 : vector<1000x128xi1>
    %jit3A = arith.constant 0.000000e+00 : f32
    %broadcast_in_dim3A = vector.broadcast %jit3A : f32 to vector<1000x128xf32>
    %select_n3A = arith.select %and3A, %broadcast_in_dim3A, %mul3A : vector<1000x128xi1>, vector<1000x128xf32>
    %swap3A_49 = arith.constant 0 : index
    %swap3A_50 = arith.constant 0 : index
    %swap3A_51 = vector.load %arg10[%swap3A_49, %swap3A_50] : memref<1000x128xf32, #tpu.memory_space<vmem>>, vector<1000x128xf32>
    tpu.vector_store %arg10[%swap3A_49, %swap3A_50], %select_n3A {strides = array<i32>} : memref<1000x128xf32, #tpu.memory_space<vmem>>, vector<1000x128xf32>,
    return
  }
  func.func @transform_0(%arg0: i32) -> (i32, i32) {
    %c0_i32 = arith.constant 0 : i32
    %c0_i32_0 = arith.constant 0 : i32
    return %arg0, %c0_i32 : i32, i32
  }
  func.func @transform_1(%arg0: i32) -> (i32, i32) {
    %c0_i32 = arith.constant 0 : i32
    %c0_i32_0 = arith.constant 0 : i32
    %c0_i32_1 = arith.constant 0 : i32
    return %c0_i32, %c0_i32_0 : i32, i32
  }
  func.func @transform_2(%arg0: i32) -> (i32, i32) {
    %c0_i32 = arith.constant 0 : i32
    %c0_i32_0 = arith.constant 0 : i32
    %c0_i32_1 = arith.constant 0 : i32
    return %c0_i32, %c0_i32_0 : i32, i32
  }
  func.func @transform_3(%arg0: i32) -> (i32, i32) {
    %c0_i32 = arith.constant 0 : i32
    %c0_i32_0 = arith.constant 0 : i32
    %c0_i32_1 = arith.constant 0 : i32
    return %c0_i32, %c0_i32_0 : i32, i32
  }
  func.func @transform_4(%arg0: i32) -> (i32, i32) {
    %c0_i32 = arith.constant 0 : i32
    %c0_i32_0 = arith.constant 0 : i32
    %c0_i32_1 = arith.constant 0 : i32
    return %c0_i32, %c0_i32_0 : i32, i32
  }
  func.func @transform_5(%arg0: i32) -> (i32, i32) {
    %c0_i32 = arith.constant 0 : i32
    %c0_i32_0 = arith.constant 0 : i32
    %c0_i32_1 = arith.constant 0 : i32
    return %c0_i32, %c0_i32_0 : i32, i32
  }
  func.func @transform_6(%arg0: i32) -> (i32, i32) {
    %c0_i32 = arith.constant 0 : i32
    %c0_i32_0 = arith.constant 0 : i32
    return %arg0, %c0_i32 : i32, i32
  }
  func.func @transform_7(%arg0: i32) -> (i32, i32) {
    %c0_i32 = arith.constant 0 : i32
    %c0_i32_0 = arith.constant 0 : i32
    return %arg0, %c0_i32 : i32, i32
  }
  func.func @transform_8(%arg0: i32) -> (i32, i32) {
    %c0_i32 = arith.constant 0 : i32
    %c0_i32_0 = arith.constant 0 : i32
    return %arg0, %c0_i32 : i32, i32
  }
  func.func @transform_9(%arg0: i32) -> (i32, i32) {
    %c0_i32 = arith.constant 0 : i32
    %c0_i32_0 = arith.constant 0 : i32
    return %arg0, %c0_i32 : i32, i32
  }
}

module attributes {stable_mosaic.version = 14 : i64} {
  func.func @_dense_body(%arg0: i32, %arg1: memref<4x1000x128xf32, #tpu.memory_space<vmem>>, %arg2: memref<1000x128xbf16, #tpu.memory_space<vmem>>, %arg3: memref<1000x128xbf16, #tpu.memory_space<vmem>>, %arg4: memref<1000x128xbf16, #tpu.memory_space<vmem>>, %arg5: memref<128x128xf32, #tpu.memory_space<vmem>>, %arg6: memref<128x128xf32, #tpu.memory_space<vmem>>, %arg7: memref<128x128xf32, #tpu.memory_space<vmem>>, %arg8: memref<1x128xf32, #tpu.memory_space<vmem>>, %arg9: memref<1x128xf32, #tpu.memory_space<vmem>>, %arg10: memref<1x128xf32, #tpu.memory_space<vmem>>, %arg11: memref<1000x128xf32, #tpu.memory_space<vmem>>) attributes {dimension_semantics = [#tpu.dimension_semantics<parallel>], iteration_bounds = array<i64: 80>, scalar_prefetch = 0 : i64, scratch_operands = 0 : i64, tpu.core_type = #tpu.core_type<tc>, window_params = [{transform_indices = @transform_0, window_bounds = array<i64: 4, 1000, 128>}, {transform_indices = @transform_1, window_bounds = array<i64: 1000, 128>}, {transform_indices = @transform_2, window_bounds = array<i64: 1000, 128>}, {transform_indices = @transform_3, window_bounds = array<i64: 1000, 128>}, {pipeline_mode = #tpu.pipeline_mode<synchronous>, transform_indices = @transform_4, window_bounds = array<i64: 128, 128>}, {pipeline_mode = #tpu.pipeline_mode<synchronous>, transform_indices = @transform_5, window_bounds = array<i64: 128, 128>}, {pipeline_mode = #tpu.pipeline_mode<synchronous>, transform_indices = @transform_6, window_bounds = array<i64: 128, 128>}, {pipeline_mode = #tpu.pipeline_mode<synchronous>, transform_indices = @transform_7, window_bounds = array<i64: 1, 128>}, {pipeline_mode = #tpu.pipeline_mode<synchronous>, transform_indices = @transform_8, window_bounds = array<i64: 1, 128>}, {pipeline_mode = #tpu.pipeline_mode<synchronous>, transform_indices = @transform_9, window_bounds = array<i64: 1, 128>}, {transform_indices = @transform_10, window_bounds = array<i64: 1000, 128>}]} {
    %get3A = arith.constant 0 : index
    %get3A_0 = arith.constant 0 : index
    %get3A_1 = vector.load %arg3[%get3A, %get3A_0] : memref<1000x128xbf16, #tpu.memory_space<vmem>>, vector<1000x128xbf16>
    %convert_element_type3A = arith.extf %get3A_1 : vector<1000x128xbf16> to vector<1000x128xf32>
    %get3A_2 = arith.constant 0 : index
    %get3A_3 = arith.constant 0 : index
    %get3A_4 = vector.load %arg6[%get3A_2, %get3A_3] : memref<128x128xf32, #tpu.memory_space<vmem>>, vector<128x128xf32>
    %get3A_5 = arith.constant 0 : index
    %get3A_6 = arith.constant 0 : index
    %get3A_7 = vector.load %arg9[%get3A_5, %get3A_6] : memref<1x128xf32, #tpu.memory_space<vmem>>, vector<1x128xf32>
    %broadcast_in_dim3A = arith.constant 0.000000e+00 : f32
    %broadcast_in_dim3A_8 = vector.broadcast %broadcast_in_dim3A : f32 to vector<1000x128xf32>
    %broadcast_in_dim3A_9 = arith.constant 0.000000e+00 : f32
    %broadcast_in_dim3A_10 = vector.broadcast %broadcast_in_dim3A_9 : f32 to vector<1000x128xf32>
    %get3A_11 = arith.constant 0 : index
    %get3A_12 = arith.constant 0 : index
    %get3A_13 = arith.constant 0 : index
    %get3A_14 = vector.load %arg1[%get3A_11, %get3A_12, %get3A_13] : memref<4x1000x128xf32, #tpu.memory_space<vmem>>, vector<1x1000x128xf32>
    %get3A_15 = vector.shape_cast %get3A_14 : vector<1x1000x128xf32> to vector<1000x128xf32>
    %dot_general3A = arith.constant dense<0.000000e+00> : vector<1000x128xf32>
    %dot_general3A_16 = tpu.matmul %get3A_15, %get3A_4, %dot_general3A {dimension_numbers = #tpu.dot_dimension_numbers<[1], [0], [0], [1], [0, 0, 1, 1], [], []>, transpose_lhs_hint = false} : vector<1000x128xf32>, vector<128x128xf32>, vector<1000x128xf32> -> vector<1000x128xf32>
    %add3A = arith.addf %convert_element_type3A, %dot_general3A_16 : vector<1000x128xf32>
    %add3A_17 = vector.broadcast %get3A_7 : vector<1x128xf32> to vector<1000x128xf32>
    %add3A_18 = arith.addf %add3A, %add3A_17 : vector<1000x128xf32>
    %logistic3A = arith.negf %add3A_18 : vector<1000x128xf32>
    %logistic3A_19 = math.exp %logistic3A : vector<1000x128xf32>
    %logistic3A_20 = arith.constant 1.000000e+00 : f32
    %logistic3A_21 = vector.broadcast %logistic3A_20 : f32 to vector<1000x128xf32>
    %logistic3A_22 = arith.addf %logistic3A_21, %logistic3A_19 : vector<1000x128xf32>
    %logistic3A_23 = arith.divf %logistic3A_21, %logistic3A_22 : vector<1000x128xf32>
    %add3A_24 = arith.addf %broadcast_in_dim3A_8, %get3A_15 : vector<1000x128xf32>
    %mul3A = arith.mulf %logistic3A_23, %get3A_15 : vector<1000x128xf32>
    %add3A_25 = arith.addf %broadcast_in_dim3A_10, %mul3A : vector<1000x128xf32>
    %get3A_26 = arith.constant 1 : index
    %get3A_27 = arith.constant 0 : index
    %get3A_28 = arith.constant 0 : index
    %get3A_29 = vector.load %arg1[%get3A_26, %get3A_27, %get3A_28] : memref<4x1000x128xf32, #tpu.memory_space<vmem>>, vector<1x1000x128xf32>
    %get3A_30 = vector.shape_cast %get3A_29 : vector<1x1000x128xf32> to vector<1000x128xf32>
    %dot_general3A_31 = arith.constant dense<0.000000e+00> : vector<1000x128xf32>
    %dot_general3A_32 = tpu.matmul %get3A_30, %get3A_4, %dot_general3A_31 {dimension_numbers = #tpu.dot_dimension_numbers<[1], [0], [0], [1], [0, 0, 1, 1], [], []>, transpose_lhs_hint = false} : vector<1000x128xf32>, vector<128x128xf32>, vector<1000x128xf32> -> vector<1000x128xf32>
    %add3A_33 = arith.addf %convert_element_type3A, %dot_general3A_32 : vector<1000x128xf32>
    %add3A_34 = vector.broadcast %get3A_7 : vector<1x128xf32> to vector<1000x128xf32>
    %add3A_35 = arith.addf %add3A_33, %add3A_34 : vector<1000x128xf32>
    %logistic3A_36 = arith.negf %add3A_35 : vector<1000x128xf32>
    %logistic3A_37 = math.exp %logistic3A_36 : vector<1000x128xf32>
    %logistic3A_38 = arith.constant 1.000000e+00 : f32
    %logistic3A_39 = vector.broadcast %logistic3A_38 : f32 to vector<1000x128xf32>
    %logistic3A_40 = arith.addf %logistic3A_39, %logistic3A_37 : vector<1000x128xf32>
    %logistic3A_41 = arith.divf %logistic3A_39, %logistic3A_40 : vector<1000x128xf32>
    %add3A_42 = arith.addf %add3A_24, %get3A_30 : vector<1000x128xf32>
    %mul3A_43 = arith.mulf %logistic3A_41, %get3A_30 : vector<1000x128xf32>
    %add3A_44 = arith.addf %add3A_25, %mul3A_43 : vector<1000x128xf32>
    %get3A_45 = arith.constant 2 : index
    %get3A_46 = arith.constant 0 : index
    %get3A_47 = arith.constant 0 : index
    %get3A_48 = vector.load %arg1[%get3A_45, %get3A_46, %get3A_47] : memref<4x1000x128xf32, #tpu.memory_space<vmem>>, vector<1x1000x128xf32>
    %get3A_49 = vector.shape_cast %get3A_48 : vector<1x1000x128xf32> to vector<1000x128xf32>
    %dot_general3A_50 = arith.constant dense<0.000000e+00> : vector<1000x128xf32>
    %dot_general3A_51 = tpu.matmul %get3A_49, %get3A_4, %dot_general3A_50 {dimension_numbers = #tpu.dot_dimension_numbers<[1], [0], [0], [1], [0, 0, 1, 1], [], []>, transpose_lhs_hint = false} : vector<1000x128xf32>, vector<128x128xf32>, vector<1000x128xf32> -> vector<1000x128xf32>
    %add3A_52 = arith.addf %convert_element_type3A, %dot_general3A_51 : vector<1000x128xf32>
    %add3A_53 = vector.broadcast %get3A_7 : vector<1x128xf32> to vector<1000x128xf32>
    %add3A_54 = arith.addf %add3A_52, %add3A_53 : vector<1000x128xf32>
    %logistic3A_55 = arith.negf %add3A_54 : vector<1000x128xf32>
    %logistic3A_56 = math.exp %logistic3A_55 : vector<1000x128xf32>
    %logistic3A_57 = arith.constant 1.000000e+00 : f32
    %logistic3A_58 = vector.broadcast %logistic3A_57 : f32 to vector<1000x128xf32>
    %logistic3A_59 = arith.addf %logistic3A_58, %logistic3A_56 : vector<1000x128xf32>
    %logistic3A_60 = arith.divf %logistic3A_58, %logistic3A_59 : vector<1000x128xf32>
    %add3A_61 = arith.addf %add3A_42, %get3A_49 : vector<1000x128xf32>
    %mul3A_62 = arith.mulf %logistic3A_60, %get3A_49 : vector<1000x128xf32>
    %add3A_63 = arith.addf %add3A_44, %mul3A_62 : vector<1000x128xf32>
    %get3A_64 = arith.constant 3 : index
    %get3A_65 = arith.constant 0 : index
    %get3A_66 = arith.constant 0 : index
    %get3A_67 = vector.load %arg1[%get3A_64, %get3A_65, %get3A_66] : memref<4x1000x128xf32, #tpu.memory_space<vmem>>, vector<1x1000x128xf32>
    %get3A_68 = vector.shape_cast %get3A_67 : vector<1x1000x128xf32> to vector<1000x128xf32>
    %dot_general3A_69 = arith.constant dense<0.000000e+00> : vector<1000x128xf32>
    %dot_general3A_70 = tpu.matmul %get3A_68, %get3A_4, %dot_general3A_69 {dimension_numbers = #tpu.dot_dimension_numbers<[1], [0], [0], [1], [0, 0, 1, 1], [], []>, transpose_lhs_hint = false} : vector<1000x128xf32>, vector<128x128xf32>, vector<1000x128xf32> -> vector<1000x128xf32>
    %add3A_71 = arith.addf %convert_element_type3A, %dot_general3A_70 : vector<1000x128xf32>
    %add3A_72 = vector.broadcast %get3A_7 : vector<1x128xf32> to vector<1000x128xf32>
    %add3A_73 = arith.addf %add3A_71, %add3A_72 : vector<1000x128xf32>
    %logistic3A_74 = arith.negf %add3A_73 : vector<1000x128xf32>
    %logistic3A_75 = math.exp %logistic3A_74 : vector<1000x128xf32>
    %logistic3A_76 = arith.constant 1.000000e+00 : f32
    %logistic3A_77 = vector.broadcast %logistic3A_76 : f32 to vector<1000x128xf32>
    %logistic3A_78 = arith.addf %logistic3A_77, %logistic3A_75 : vector<1000x128xf32>
    %logistic3A_79 = arith.divf %logistic3A_77, %logistic3A_78 : vector<1000x128xf32>
    %add3A_80 = arith.addf %add3A_61, %get3A_68 : vector<1000x128xf32>
    %mul3A_81 = arith.mulf %logistic3A_79, %get3A_68 : vector<1000x128xf32>
    %add3A_82 = arith.addf %add3A_63, %mul3A_81 : vector<1000x128xf32>
    %get3A_83 = arith.constant 0 : index
    %get3A_84 = arith.constant 0 : index
    %get3A_85 = vector.load %arg2[%get3A_83, %get3A_84] : memref<1000x128xbf16, #tpu.memory_space<vmem>>, vector<1000x128xbf16>
    %convert_element_type3A_86 = arith.extf %get3A_85 : vector<1000x128xbf16> to vector<1000x128xf32>
    %get3A_87 = arith.constant 0 : index
    %get3A_88 = arith.constant 0 : index
    %get3A_89 = vector.load %arg5[%get3A_87, %get3A_88] : memref<128x128xf32, #tpu.memory_space<vmem>>, vector<128x128xf32>
    %dot_general3A_90 = arith.constant dense<0.000000e+00> : vector<1000x128xf32>
    %dot_general3A_91 = tpu.matmul %add3A_80, %get3A_89, %dot_general3A_90 {dimension_numbers = #tpu.dot_dimension_numbers<[1], [0], [0], [1], [0, 0, 1, 1], [], []>, transpose_lhs_hint = false} : vector<1000x128xf32>, vector<128x128xf32>, vector<1000x128xf32> -> vector<1000x128xf32>
    %add3A_92 = arith.addf %convert_element_type3A_86, %dot_general3A_91 : vector<1000x128xf32>
    %get3A_93 = arith.constant 0 : index
    %get3A_94 = arith.constant 0 : index
    %get3A_95 = vector.load %arg8[%get3A_93, %get3A_94] : memref<1x128xf32, #tpu.memory_space<vmem>>, vector<1x128xf32>
    %add3A_96 = vector.broadcast %get3A_95 : vector<1x128xf32> to vector<1000x128xf32>
    %add3A_97 = arith.addf %add3A_92, %add3A_96 : vector<1000x128xf32>
    %logistic3A_98 = arith.negf %add3A_97 : vector<1000x128xf32>
    %logistic3A_99 = math.exp %logistic3A_98 : vector<1000x128xf32>
    %logistic3A_100 = arith.constant 1.000000e+00 : f32
    %logistic3A_101 = vector.broadcast %logistic3A_100 : f32 to vector<1000x128xf32>
    %logistic3A_102 = arith.addf %logistic3A_101, %logistic3A_99 : vector<1000x128xf32>
    %logistic3A_103 = arith.divf %logistic3A_101, %logistic3A_102 : vector<1000x128xf32>
    %get3A_104 = arith.constant 0 : index
    %get3A_105 = arith.constant 0 : index
    %get3A_106 = vector.load %arg4[%get3A_104, %get3A_105] : memref<1000x128xbf16, #tpu.memory_space<vmem>>, vector<1000x128xbf16>
    %convert_element_type3A_107 = arith.extf %get3A_106 : vector<1000x128xbf16> to vector<1000x128xf32>
    %get3A_108 = arith.constant 0 : index
    %get3A_109 = arith.constant 0 : index
    %get3A_110 = vector.load %arg7[%get3A_108, %get3A_109] : memref<128x128xf32, #tpu.memory_space<vmem>>, vector<128x128xf32>
    %dot_general3A_111 = arith.constant dense<0.000000e+00> : vector<1000x128xf32>
    %dot_general3A_112 = tpu.matmul %add3A_82, %get3A_110, %dot_general3A_111 {dimension_numbers = #tpu.dot_dimension_numbers<[1], [0], [0], [1], [0, 0, 1, 1], [], []>, transpose_lhs_hint = false} : vector<1000x128xf32>, vector<128x128xf32>, vector<1000x128xf32> -> vector<1000x128xf32>
    %add3A_113 = arith.addf %convert_element_type3A_107, %dot_general3A_112 : vector<1000x128xf32>
    %get3A_114 = arith.constant 0 : index
    %get3A_115 = arith.constant 0 : index
    %get3A_116 = vector.load %arg10[%get3A_114, %get3A_115] : memref<1x128xf32, #tpu.memory_space<vmem>>, vector<1x128xf32>
    %add3A_117 = vector.broadcast %get3A_116 : vector<1x128xf32> to vector<1000x128xf32>
    %add3A_118 = arith.addf %add3A_113, %add3A_117 : vector<1000x128xf32>
    %tanh3A = math.tanh %add3A_118 : vector<1000x128xf32>
    %sub3A = arith.constant 1.000000e+00 : f32
    %sub3A_119 = vector.broadcast %sub3A : f32 to vector<1000x128xf32>
    %sub3A_120 = arith.subf %sub3A_119, %logistic3A_103 : vector<1000x128xf32>
    %mul3A_121 = arith.mulf %sub3A_120, %add3A_80 : vector<1000x128xf32>
    %mul3A_122 = arith.mulf %logistic3A_103, %tanh3A : vector<1000x128xf32>
    %add3A_123 = arith.addf %mul3A_121, %mul3A_122 : vector<1000x128xf32>
    %iota3A = tpu.iota {dimensions = array<i32: 0>} : vector<1000x128xi32>
    %add3A_124 = arith.constant 0 : i32
    %add3A_125 = arith.addi %arg0, %add3A_124 : i32
    %mul3A_126 = arith.constant 1000 : i32
    %mul3A_127 = arith.muli %add3A_125, %mul3A_126 : i32
    %add3A_128 = vector.broadcast %mul3A_127 : i32 to vector<1000x128xi32>
    %add3A_129 = arith.addi %iota3A, %add3A_128 : vector<1000x128xi32>
    %iota3A_130 = tpu.iota {dimensions = array<i32: 1>} : vector<1000x128xi32>
    %eq3A = arith.constant 0 : i32
    %eq3A_131 = vector.broadcast %eq3A : i32 to vector<1000x128xi32>
    %eq3A_132 = arith.cmpi eq, %add3A_129, %eq3A_131 : vector<1000x128xi32>
    %lt3A = arith.constant 64 : i32
    %lt3A_133 = vector.broadcast %lt3A : i32 to vector<1000x128xi32>
    %lt3A_134 = arith.cmpi slt, %iota3A_130, %lt3A_133 : vector<1000x128xi32>
    %and3A = arith.andi %eq3A_132, %lt3A_134 : vector<1000x128xi1>
    %jit3A = arith.constant 0.000000e+00 : f32
    %broadcast_in_dim3A_135 = vector.broadcast %jit3A : f32 to vector<1000x128xf32>
    %select_n3A = arith.select %and3A, %broadcast_in_dim3A_135, %add3A_123 : vector<1000x128xi1>, vector<1000x128xf32>
    %swap3A = arith.constant 0 : index
    %swap3A_136 = arith.constant 0 : index
    %swap3A_137 = vector.load %arg11[%swap3A, %swap3A_136] : memref<1000x128xf32, #tpu.memory_space<vmem>>, vector<1000x128xf32>
    tpu.vector_store %arg11[%swap3A, %swap3A_136], %select_n3A {strides = array<i32>} : memref<1000x128xf32, #tpu.memory_space<vmem>>, vector<1000x128xf32>,
    return
  }
  func.func @transform_0(%arg0: i32) -> (i32, i32, i32) {
    %c0_i32 = arith.constant 0 : i32
    %c0_i32_0 = arith.constant 0 : i32
    %c0_i32_1 = arith.constant 0 : i32
    return %c0_i32, %arg0, %c0_i32_0 : i32, i32, i32
  }
  func.func @transform_1(%arg0: i32) -> (i32, i32) {
    %add3A = arith.constant 0 : i32
    %add3A_0 = arith.addi %arg0, %add3A : i32
    %c0_i32 = arith.constant 0 : i32
    %c0_i32_1 = arith.constant 0 : i32
    return %add3A_0, %c0_i32 : i32, i32
  }
  func.func @transform_2(%arg0: i32) -> (i32, i32) {
    %add3A = arith.constant 0 : i32
    %add3A_0 = arith.addi %arg0, %add3A : i32
    %c0_i32 = arith.constant 0 : i32
    %c0_i32_1 = arith.constant 0 : i32
    return %add3A_0, %c0_i32 : i32, i32
  }
  func.func @transform_3(%arg0: i32) -> (i32, i32) {
    %add3A = arith.constant 0 : i32
    %add3A_0 = arith.addi %arg0, %add3A : i32
    %c0_i32 = arith.constant 0 : i32
    %c0_i32_1 = arith.constant 0 : i32
    return %add3A_0, %c0_i32 : i32, i32
  }
  func.func @transform_4(%arg0: i32) -> (i32, i32) {
    %c0_i32 = arith.constant 0 : i32
    %c0_i32_0 = arith.constant 0 : i32
    %c0_i32_1 = arith.constant 0 : i32
    return %c0_i32, %c0_i32_0 : i32, i32
  }
  func.func @transform_5(%arg0: i32) -> (i32, i32) {
    %c0_i32 = arith.constant 0 : i32
    %c0_i32_0 = arith.constant 0 : i32
    %c0_i32_1 = arith.constant 0 : i32
    return %c0_i32, %c0_i32_0 : i32, i32
  }
  func.func @transform_6(%arg0: i32) -> (i32, i32) {
    %c0_i32 = arith.constant 0 : i32
    %c0_i32_0 = arith.constant 0 : i32
    %c0_i32_1 = arith.constant 0 : i32
    return %c0_i32, %c0_i32_0 : i32, i32
  }
  func.func @transform_7(%arg0: i32) -> (i32, i32) {
    %c0_i32 = arith.constant 0 : i32
    %c0_i32_0 = arith.constant 0 : i32
    %c0_i32_1 = arith.constant 0 : i32
    return %c0_i32, %c0_i32_0 : i32, i32
  }
  func.func @transform_8(%arg0: i32) -> (i32, i32) {
    %c0_i32 = arith.constant 0 : i32
    %c0_i32_0 = arith.constant 0 : i32
    %c0_i32_1 = arith.constant 0 : i32
    return %c0_i32, %c0_i32_0 : i32, i32
  }
  func.func @transform_9(%arg0: i32) -> (i32, i32) {
    %c0_i32 = arith.constant 0 : i32
    %c0_i32_0 = arith.constant 0 : i32
    %c0_i32_1 = arith.constant 0 : i32
    return %c0_i32, %c0_i32_0 : i32, i32
  }
  func.func @transform_10(%arg0: i32) -> (i32, i32) {
    %c0_i32 = arith.constant 0 : i32
    %c0_i32_0 = arith.constant 0 : i32
    return %arg0, %c0_i32 : i32, i32
  }
}

module attributes {stable_mosaic.version = 14 : i64} {
  func.func @_dense_body(%arg0: i32, %arg1: memref<4x1000x128xf32, #tpu.memory_space<vmem>>, %arg2: memref<1000x128xbf16, #tpu.memory_space<vmem>>, %arg3: memref<1000x128xbf16, #tpu.memory_space<vmem>>, %arg4: memref<1000x128xbf16, #tpu.memory_space<vmem>>, %arg5: memref<128x128xf32, #tpu.memory_space<vmem>>, %arg6: memref<128x128xf32, #tpu.memory_space<vmem>>, %arg7: memref<128x128xf32, #tpu.memory_space<vmem>>, %arg8: memref<1x128xf32, #tpu.memory_space<vmem>>, %arg9: memref<1x128xf32, #tpu.memory_space<vmem>>, %arg10: memref<1x128xf32, #tpu.memory_space<vmem>>, %arg11: memref<1000x128xf32, #tpu.memory_space<vmem>>) attributes {dimension_semantics = [#tpu.dimension_semantics<parallel>], iteration_bounds = array<i64: 40>, scalar_prefetch = 0 : i64, scratch_operands = 0 : i64, tpu.core_type = #tpu.core_type<tc>, window_params = [{transform_indices = @transform_0, window_bounds = array<i64: 4, 1000, 128>}, {transform_indices = @transform_1, window_bounds = array<i64: 1000, 128>}, {transform_indices = @transform_2, window_bounds = array<i64: 1000, 128>}, {transform_indices = @transform_3, window_bounds = array<i64: 1000, 128>}, {pipeline_mode = #tpu.pipeline_mode<synchronous>, transform_indices = @transform_4, window_bounds = array<i64: 128, 128>}, {pipeline_mode = #tpu.pipeline_mode<synchronous>, transform_indices = @transform_5, window_bounds = array<i64: 128, 128>}, {pipeline_mode = #tpu.pipeline_mode<synchronous>, transform_indices = @transform_6, window_bounds = array<i64: 128, 128>}, {pipeline_mode = #tpu.pipeline_mode<synchronous>, transform_indices = @transform_7, window_bounds = array<i64: 1, 128>}, {pipeline_mode = #tpu.pipeline_mode<synchronous>, transform_indices = @transform_8, window_bounds = array<i64: 1, 128>}, {pipeline_mode = #tpu.pipeline_mode<synchronous>, transform_indices = @transform_9, window_bounds = array<i64: 1, 128>}, {transform_indices = @transform_10, window_bounds = array<i64: 1000, 128>}]} {
    %get3A = arith.constant 0 : index
    %get3A_0 = arith.constant 0 : index
    %get3A_1 = vector.load %arg3[%get3A, %get3A_0] : memref<1000x128xbf16, #tpu.memory_space<vmem>>, vector<1000x128xbf16>
    %convert_element_type3A = arith.extf %get3A_1 : vector<1000x128xbf16> to vector<1000x128xf32>
    %get3A_2 = arith.constant 0 : index
    %get3A_3 = arith.constant 0 : index
    %get3A_4 = vector.load %arg6[%get3A_2, %get3A_3] : memref<128x128xf32, #tpu.memory_space<vmem>>, vector<128x128xf32>
    %get3A_5 = arith.constant 0 : index
    %get3A_6 = arith.constant 0 : index
    %get3A_7 = vector.load %arg9[%get3A_5, %get3A_6] : memref<1x128xf32, #tpu.memory_space<vmem>>, vector<1x128xf32>
    %broadcast_in_dim3A = arith.constant 0.000000e+00 : f32
    %broadcast_in_dim3A_8 = vector.broadcast %broadcast_in_dim3A : f32 to vector<1000x128xf32>
    %broadcast_in_dim3A_9 = arith.constant 0.000000e+00 : f32
    %broadcast_in_dim3A_10 = vector.broadcast %broadcast_in_dim3A_9 : f32 to vector<1000x128xf32>
    %get3A_11 = arith.constant 0 : index
    %get3A_12 = arith.constant 0 : index
    %get3A_13 = arith.constant 0 : index
    %get3A_14 = vector.load %arg1[%get3A_11, %get3A_12, %get3A_13] : memref<4x1000x128xf32, #tpu.memory_space<vmem>>, vector<1x1000x128xf32>
    %get3A_15 = vector.shape_cast %get3A_14 : vector<1x1000x128xf32> to vector<1000x128xf32>
    %dot_general3A = arith.constant dense<0.000000e+00> : vector<1000x128xf32>
    %dot_general3A_16 = tpu.matmul %get3A_15, %get3A_4, %dot_general3A {dimension_numbers = #tpu.dot_dimension_numbers<[1], [0], [0], [1], [0, 0, 1, 1], [], []>, transpose_lhs_hint = false} : vector<1000x128xf32>, vector<128x128xf32>, vector<1000x128xf32> -> vector<1000x128xf32>
    %add3A = arith.addf %convert_element_type3A, %dot_general3A_16 : vector<1000x128xf32>
    %add3A_17 = vector.broadcast %get3A_7 : vector<1x128xf32> to vector<1000x128xf32>
    %add3A_18 = arith.addf %add3A, %add3A_17 : vector<1000x128xf32>
    %logistic3A = arith.negf %add3A_18 : vector<1000x128xf32>
    %logistic3A_19 = math.exp %logistic3A : vector<1000x128xf32>
    %logistic3A_20 = arith.constant 1.000000e+00 : f32
    %logistic3A_21 = vector.broadcast %logistic3A_20 : f32 to vector<1000x128xf32>
    %logistic3A_22 = arith.addf %logistic3A_21, %logistic3A_19 : vector<1000x128xf32>
    %logistic3A_23 = arith.divf %logistic3A_21, %logistic3A_22 : vector<1000x128xf32>
    %add3A_24 = arith.addf %broadcast_in_dim3A_8, %get3A_15 : vector<1000x128xf32>
    %mul3A = arith.mulf %logistic3A_23, %get3A_15 : vector<1000x128xf32>
    %add3A_25 = arith.addf %broadcast_in_dim3A_10, %mul3A : vector<1000x128xf32>
    %get3A_26 = arith.constant 1 : index
    %get3A_27 = arith.constant 0 : index
    %get3A_28 = arith.constant 0 : index
    %get3A_29 = vector.load %arg1[%get3A_26, %get3A_27, %get3A_28] : memref<4x1000x128xf32, #tpu.memory_space<vmem>>, vector<1x1000x128xf32>
    %get3A_30 = vector.shape_cast %get3A_29 : vector<1x1000x128xf32> to vector<1000x128xf32>
    %dot_general3A_31 = arith.constant dense<0.000000e+00> : vector<1000x128xf32>
    %dot_general3A_32 = tpu.matmul %get3A_30, %get3A_4, %dot_general3A_31 {dimension_numbers = #tpu.dot_dimension_numbers<[1], [0], [0], [1], [0, 0, 1, 1], [], []>, transpose_lhs_hint = false} : vector<1000x128xf32>, vector<128x128xf32>, vector<1000x128xf32> -> vector<1000x128xf32>
    %add3A_33 = arith.addf %convert_element_type3A, %dot_general3A_32 : vector<1000x128xf32>
    %add3A_34 = vector.broadcast %get3A_7 : vector<1x128xf32> to vector<1000x128xf32>
    %add3A_35 = arith.addf %add3A_33, %add3A_34 : vector<1000x128xf32>
    %logistic3A_36 = arith.negf %add3A_35 : vector<1000x128xf32>
    %logistic3A_37 = math.exp %logistic3A_36 : vector<1000x128xf32>
    %logistic3A_38 = arith.constant 1.000000e+00 : f32
    %logistic3A_39 = vector.broadcast %logistic3A_38 : f32 to vector<1000x128xf32>
    %logistic3A_40 = arith.addf %logistic3A_39, %logistic3A_37 : vector<1000x128xf32>
    %logistic3A_41 = arith.divf %logistic3A_39, %logistic3A_40 : vector<1000x128xf32>
    %add3A_42 = arith.addf %add3A_24, %get3A_30 : vector<1000x128xf32>
    %mul3A_43 = arith.mulf %logistic3A_41, %get3A_30 : vector<1000x128xf32>
    %add3A_44 = arith.addf %add3A_25, %mul3A_43 : vector<1000x128xf32>
    %get3A_45 = arith.constant 2 : index
    %get3A_46 = arith.constant 0 : index
    %get3A_47 = arith.constant 0 : index
    %get3A_48 = vector.load %arg1[%get3A_45, %get3A_46, %get3A_47] : memref<4x1000x128xf32, #tpu.memory_space<vmem>>, vector<1x1000x128xf32>
    %get3A_49 = vector.shape_cast %get3A_48 : vector<1x1000x128xf32> to vector<1000x128xf32>
    %dot_general3A_50 = arith.constant dense<0.000000e+00> : vector<1000x128xf32>
    %dot_general3A_51 = tpu.matmul %get3A_49, %get3A_4, %dot_general3A_50 {dimension_numbers = #tpu.dot_dimension_numbers<[1], [0], [0], [1], [0, 0, 1, 1], [], []>, transpose_lhs_hint = false} : vector<1000x128xf32>, vector<128x128xf32>, vector<1000x128xf32> -> vector<1000x128xf32>
    %add3A_52 = arith.addf %convert_element_type3A, %dot_general3A_51 : vector<1000x128xf32>
    %add3A_53 = vector.broadcast %get3A_7 : vector<1x128xf32> to vector<1000x128xf32>
    %add3A_54 = arith.addf %add3A_52, %add3A_53 : vector<1000x128xf32>
    %logistic3A_55 = arith.negf %add3A_54 : vector<1000x128xf32>
    %logistic3A_56 = math.exp %logistic3A_55 : vector<1000x128xf32>
    %logistic3A_57 = arith.constant 1.000000e+00 : f32
    %logistic3A_58 = vector.broadcast %logistic3A_57 : f32 to vector<1000x128xf32>
    %logistic3A_59 = arith.addf %logistic3A_58, %logistic3A_56 : vector<1000x128xf32>
    %logistic3A_60 = arith.divf %logistic3A_58, %logistic3A_59 : vector<1000x128xf32>
    %add3A_61 = arith.addf %add3A_42, %get3A_49 : vector<1000x128xf32>
    %mul3A_62 = arith.mulf %logistic3A_60, %get3A_49 : vector<1000x128xf32>
    %add3A_63 = arith.addf %add3A_44, %mul3A_62 : vector<1000x128xf32>
    %get3A_64 = arith.constant 3 : index
    %get3A_65 = arith.constant 0 : index
    %get3A_66 = arith.constant 0 : index
    %get3A_67 = vector.load %arg1[%get3A_64, %get3A_65, %get3A_66] : memref<4x1000x128xf32, #tpu.memory_space<vmem>>, vector<1x1000x128xf32>
    %get3A_68 = vector.shape_cast %get3A_67 : vector<1x1000x128xf32> to vector<1000x128xf32>
    %dot_general3A_69 = arith.constant dense<0.000000e+00> : vector<1000x128xf32>
    %dot_general3A_70 = tpu.matmul %get3A_68, %get3A_4, %dot_general3A_69 {dimension_numbers = #tpu.dot_dimension_numbers<[1], [0], [0], [1], [0, 0, 1, 1], [], []>, transpose_lhs_hint = false} : vector<1000x128xf32>, vector<128x128xf32>, vector<1000x128xf32> -> vector<1000x128xf32>
    %add3A_71 = arith.addf %convert_element_type3A, %dot_general3A_70 : vector<1000x128xf32>
    %add3A_72 = vector.broadcast %get3A_7 : vector<1x128xf32> to vector<1000x128xf32>
    %add3A_73 = arith.addf %add3A_71, %add3A_72 : vector<1000x128xf32>
    %logistic3A_74 = arith.negf %add3A_73 : vector<1000x128xf32>
    %logistic3A_75 = math.exp %logistic3A_74 : vector<1000x128xf32>
    %logistic3A_76 = arith.constant 1.000000e+00 : f32
    %logistic3A_77 = vector.broadcast %logistic3A_76 : f32 to vector<1000x128xf32>
    %logistic3A_78 = arith.addf %logistic3A_77, %logistic3A_75 : vector<1000x128xf32>
    %logistic3A_79 = arith.divf %logistic3A_77, %logistic3A_78 : vector<1000x128xf32>
    %add3A_80 = arith.addf %add3A_61, %get3A_68 : vector<1000x128xf32>
    %mul3A_81 = arith.mulf %logistic3A_79, %get3A_68 : vector<1000x128xf32>
    %add3A_82 = arith.addf %add3A_63, %mul3A_81 : vector<1000x128xf32>
    %get3A_83 = arith.constant 0 : index
    %get3A_84 = arith.constant 0 : index
    %get3A_85 = vector.load %arg2[%get3A_83, %get3A_84] : memref<1000x128xbf16, #tpu.memory_space<vmem>>, vector<1000x128xbf16>
    %convert_element_type3A_86 = arith.extf %get3A_85 : vector<1000x128xbf16> to vector<1000x128xf32>
    %get3A_87 = arith.constant 0 : index
    %get3A_88 = arith.constant 0 : index
    %get3A_89 = vector.load %arg5[%get3A_87, %get3A_88] : memref<128x128xf32, #tpu.memory_space<vmem>>, vector<128x128xf32>
    %dot_general3A_90 = arith.constant dense<0.000000e+00> : vector<1000x128xf32>
    %dot_general3A_91 = tpu.matmul %add3A_80, %get3A_89, %dot_general3A_90 {dimension_numbers = #tpu.dot_dimension_numbers<[1], [0], [0], [1], [0, 0, 1, 1], [], []>, transpose_lhs_hint = false} : vector<1000x128xf32>, vector<128x128xf32>, vector<1000x128xf32> -> vector<1000x128xf32>
    %add3A_92 = arith.addf %convert_element_type3A_86, %dot_general3A_91 : vector<1000x128xf32>
    %get3A_93 = arith.constant 0 : index
    %get3A_94 = arith.constant 0 : index
    %get3A_95 = vector.load %arg8[%get3A_93, %get3A_94] : memref<1x128xf32, #tpu.memory_space<vmem>>, vector<1x128xf32>
    %add3A_96 = vector.broadcast %get3A_95 : vector<1x128xf32> to vector<1000x128xf32>
    %add3A_97 = arith.addf %add3A_92, %add3A_96 : vector<1000x128xf32>
    %logistic3A_98 = arith.negf %add3A_97 : vector<1000x128xf32>
    %logistic3A_99 = math.exp %logistic3A_98 : vector<1000x128xf32>
    %logistic3A_100 = arith.constant 1.000000e+00 : f32
    %logistic3A_101 = vector.broadcast %logistic3A_100 : f32 to vector<1000x128xf32>
    %logistic3A_102 = arith.addf %logistic3A_101, %logistic3A_99 : vector<1000x128xf32>
    %logistic3A_103 = arith.divf %logistic3A_101, %logistic3A_102 : vector<1000x128xf32>
    %get3A_104 = arith.constant 0 : index
    %get3A_105 = arith.constant 0 : index
    %get3A_106 = vector.load %arg4[%get3A_104, %get3A_105] : memref<1000x128xbf16, #tpu.memory_space<vmem>>, vector<1000x128xbf16>
    %convert_element_type3A_107 = arith.extf %get3A_106 : vector<1000x128xbf16> to vector<1000x128xf32>
    %get3A_108 = arith.constant 0 : index
    %get3A_109 = arith.constant 0 : index
    %get3A_110 = vector.load %arg7[%get3A_108, %get3A_109] : memref<128x128xf32, #tpu.memory_space<vmem>>, vector<128x128xf32>
    %dot_general3A_111 = arith.constant dense<0.000000e+00> : vector<1000x128xf32>
    %dot_general3A_112 = tpu.matmul %add3A_82, %get3A_110, %dot_general3A_111 {dimension_numbers = #tpu.dot_dimension_numbers<[1], [0], [0], [1], [0, 0, 1, 1], [], []>, transpose_lhs_hint = false} : vector<1000x128xf32>, vector<128x128xf32>, vector<1000x128xf32> -> vector<1000x128xf32>
    %add3A_113 = arith.addf %convert_element_type3A_107, %dot_general3A_112 : vector<1000x128xf32>
    %get3A_114 = arith.constant 0 : index
    %get3A_115 = arith.constant 0 : index
    %get3A_116 = vector.load %arg10[%get3A_114, %get3A_115] : memref<1x128xf32, #tpu.memory_space<vmem>>, vector<1x128xf32>
    %add3A_117 = vector.broadcast %get3A_116 : vector<1x128xf32> to vector<1000x128xf32>
    %add3A_118 = arith.addf %add3A_113, %add3A_117 : vector<1000x128xf32>
    %tanh3A = math.tanh %add3A_118 : vector<1000x128xf32>
    %sub3A = arith.constant 1.000000e+00 : f32
    %sub3A_119 = vector.broadcast %sub3A : f32 to vector<1000x128xf32>
    %sub3A_120 = arith.subf %sub3A_119, %logistic3A_103 : vector<1000x128xf32>
    %mul3A_121 = arith.mulf %sub3A_120, %add3A_80 : vector<1000x128xf32>
    %mul3A_122 = arith.mulf %logistic3A_103, %tanh3A : vector<1000x128xf32>
    %add3A_123 = arith.addf %mul3A_121, %mul3A_122 : vector<1000x128xf32>
    %iota3A = tpu.iota {dimensions = array<i32: 0>} : vector<1000x128xi32>
    %add3A_124 = arith.constant 0 : i32
    %add3A_125 = arith.addi %arg0, %add3A_124 : i32
    %mul3A_126 = arith.constant 1000 : i32
    %mul3A_127 = arith.muli %add3A_125, %mul3A_126 : i32
    %add3A_128 = vector.broadcast %mul3A_127 : i32 to vector<1000x128xi32>
    %add3A_129 = arith.addi %iota3A, %add3A_128 : vector<1000x128xi32>
    %iota3A_130 = tpu.iota {dimensions = array<i32: 1>} : vector<1000x128xi32>
    %eq3A = arith.constant 0 : i32
    %eq3A_131 = vector.broadcast %eq3A : i32 to vector<1000x128xi32>
    %eq3A_132 = arith.cmpi eq, %add3A_129, %eq3A_131 : vector<1000x128xi32>
    %lt3A = arith.constant 64 : i32
    %lt3A_133 = vector.broadcast %lt3A : i32 to vector<1000x128xi32>
    %lt3A_134 = arith.cmpi slt, %iota3A_130, %lt3A_133 : vector<1000x128xi32>
    %and3A = arith.andi %eq3A_132, %lt3A_134 : vector<1000x128xi1>
    %jit3A = arith.constant 0.000000e+00 : f32
    %broadcast_in_dim3A_135 = vector.broadcast %jit3A : f32 to vector<1000x128xf32>
    %select_n3A = arith.select %and3A, %broadcast_in_dim3A_135, %add3A_123 : vector<1000x128xi1>, vector<1000x128xf32>
    %swap3A = arith.constant 0 : index
    %swap3A_136 = arith.constant 0 : index
    %swap3A_137 = vector.load %arg11[%swap3A, %swap3A_136] : memref<1000x128xf32, #tpu.memory_space<vmem>>, vector<1000x128xf32>
    tpu.vector_store %arg11[%swap3A, %swap3A_136], %select_n3A {strides = array<i32>} : memref<1000x128xf32, #tpu.memory_space<vmem>>, vector<1000x128xf32>,
    return
  }
  func.func @transform_0(%arg0: i32) -> (i32, i32, i32) {
    %c0_i32 = arith.constant 0 : i32
    %c0_i32_0 = arith.constant 0 : i32
    %c0_i32_1 = arith.constant 0 : i32
    return %c0_i32, %arg0, %c0_i32_0 : i32, i32, i32
  }
  func.func @transform_1(%arg0: i32) -> (i32, i32) {
    %add3A = arith.constant 0 : i32
    %add3A_0 = arith.addi %arg0, %add3A : i32
    %c0_i32 = arith.constant 0 : i32
    %c0_i32_1 = arith.constant 0 : i32
    return %add3A_0, %c0_i32 : i32, i32
  }
  func.func @transform_2(%arg0: i32) -> (i32, i32) {
    %add3A = arith.constant 0 : i32
    %add3A_0 = arith.addi %arg0, %add3A : i32
    %c0_i32 = arith.constant 0 : i32
    %c0_i32_1 = arith.constant 0 : i32
    return %add3A_0, %c0_i32 : i32, i32
  }
  func.func @transform_3(%arg0: i32) -> (i32, i32) {
    %add3A = arith.constant 0 : i32
    %add3A_0 = arith.addi %arg0, %add3A : i32
    %c0_i32 = arith.constant 0 : i32
    %c0_i32_1 = arith.constant 0 : i32
    return %add3A_0, %c0_i32 : i32, i32
  }
  func.func @transform_4(%arg0: i32) -> (i32, i32) {
    %c0_i32 = arith.constant 0 : i32
    %c0_i32_0 = arith.constant 0 : i32
    %c0_i32_1 = arith.constant 0 : i32
    return %c0_i32, %c0_i32_0 : i32, i32
  }
  func.func @transform_5(%arg0: i32) -> (i32, i32) {
    %c0_i32 = arith.constant 0 : i32
    %c0_i32_0 = arith.constant 0 : i32
    %c0_i32_1 = arith.constant 0 : i32
    return %c0_i32, %c0_i32_0 : i32, i32
  }
  func.func @transform_6(%arg0: i32) -> (i32, i32) {
    %c0_i32 = arith.constant 0 : i32
    %c0_i32_0 = arith.constant 0 : i32
    %c0_i32_1 = arith.constant 0 : i32
    return %c0_i32, %c0_i32_0 : i32, i32
  }
  func.func @transform_7(%arg0: i32) -> (i32, i32) {
    %c0_i32 = arith.constant 0 : i32
    %c0_i32_0 = arith.constant 0 : i32
    %c0_i32_1 = arith.constant 0 : i32
    return %c0_i32, %c0_i32_0 : i32, i32
  }
  func.func @transform_8(%arg0: i32) -> (i32, i32) {
    %c0_i32 = arith.constant 0 : i32
    %c0_i32_0 = arith.constant 0 : i32
    %c0_i32_1 = arith.constant 0 : i32
    return %c0_i32, %c0_i32_0 : i32, i32
  }
  func.func @transform_9(%arg0: i32) -> (i32, i32) {
    %c0_i32 = arith.constant 0 : i32
    %c0_i32_0 = arith.constant 0 : i32
    %c0_i32_1 = arith.constant 0 : i32
    return %c0_i32, %c0_i32_0 : i32, i32
  }
  func.func @transform_10(%arg0: i32) -> (i32, i32) {
    %c0_i32 = arith.constant 0 : i32
    %c0_i32_0 = arith.constant 0 : i32
    return %arg0, %c0_i32 : i32, i32
  }
}

module attributes {stable_mosaic.version = 14 : i64} {
  func.func @_dense_body(%arg0: i32, %arg1: memref<4x1000x128xf32, #tpu.memory_space<vmem>>, %arg2: memref<1000x128xbf16, #tpu.memory_space<vmem>>, %arg3: memref<1000x128xbf16, #tpu.memory_space<vmem>>, %arg4: memref<1000x128xbf16, #tpu.memory_space<vmem>>, %arg5: memref<128x128xf32, #tpu.memory_space<vmem>>, %arg6: memref<128x128xf32, #tpu.memory_space<vmem>>, %arg7: memref<128x128xf32, #tpu.memory_space<vmem>>, %arg8: memref<1x128xf32, #tpu.memory_space<vmem>>, %arg9: memref<1x128xf32, #tpu.memory_space<vmem>>, %arg10: memref<1x128xf32, #tpu.memory_space<vmem>>, %arg11: memref<1000x128xf32, #tpu.memory_space<vmem>>) attributes {dimension_semantics = [#tpu.dimension_semantics<parallel>], iteration_bounds = array<i64: 40>, scalar_prefetch = 0 : i64, scratch_operands = 0 : i64, tpu.core_type = #tpu.core_type<tc>, window_params = [{transform_indices = @transform_0, window_bounds = array<i64: 4, 1000, 128>}, {transform_indices = @transform_1, window_bounds = array<i64: 1000, 128>}, {transform_indices = @transform_2, window_bounds = array<i64: 1000, 128>}, {transform_indices = @transform_3, window_bounds = array<i64: 1000, 128>}, {pipeline_mode = #tpu.pipeline_mode<synchronous>, transform_indices = @transform_4, window_bounds = array<i64: 128, 128>}, {pipeline_mode = #tpu.pipeline_mode<synchronous>, transform_indices = @transform_5, window_bounds = array<i64: 128, 128>}, {pipeline_mode = #tpu.pipeline_mode<synchronous>, transform_indices = @transform_6, window_bounds = array<i64: 128, 128>}, {pipeline_mode = #tpu.pipeline_mode<synchronous>, transform_indices = @transform_7, window_bounds = array<i64: 1, 128>}, {pipeline_mode = #tpu.pipeline_mode<synchronous>, transform_indices = @transform_8, window_bounds = array<i64: 1, 128>}, {pipeline_mode = #tpu.pipeline_mode<synchronous>, transform_indices = @transform_9, window_bounds = array<i64: 1, 128>}, {transform_indices = @transform_10, window_bounds = array<i64: 1000, 128>}]} {
    %get3A = arith.constant 0 : index
    %get3A_0 = arith.constant 0 : index
    %get3A_1 = vector.load %arg3[%get3A, %get3A_0] : memref<1000x128xbf16, #tpu.memory_space<vmem>>, vector<1000x128xbf16>
    %convert_element_type3A = arith.extf %get3A_1 : vector<1000x128xbf16> to vector<1000x128xf32>
    %get3A_2 = arith.constant 0 : index
    %get3A_3 = arith.constant 0 : index
    %get3A_4 = vector.load %arg6[%get3A_2, %get3A_3] : memref<128x128xf32, #tpu.memory_space<vmem>>, vector<128x128xf32>
    %get3A_5 = arith.constant 0 : index
    %get3A_6 = arith.constant 0 : index
    %get3A_7 = vector.load %arg9[%get3A_5, %get3A_6] : memref<1x128xf32, #tpu.memory_space<vmem>>, vector<1x128xf32>
    %broadcast_in_dim3A = arith.constant 0.000000e+00 : f32
    %broadcast_in_dim3A_8 = vector.broadcast %broadcast_in_dim3A : f32 to vector<1000x128xf32>
    %broadcast_in_dim3A_9 = arith.constant 0.000000e+00 : f32
    %broadcast_in_dim3A_10 = vector.broadcast %broadcast_in_dim3A_9 : f32 to vector<1000x128xf32>
    %get3A_11 = arith.constant 0 : index
    %get3A_12 = arith.constant 0 : index
    %get3A_13 = arith.constant 0 : index
    %get3A_14 = vector.load %arg1[%get3A_11, %get3A_12, %get3A_13] : memref<4x1000x128xf32, #tpu.memory_space<vmem>>, vector<1x1000x128xf32>
    %get3A_15 = vector.shape_cast %get3A_14 : vector<1x1000x128xf32> to vector<1000x128xf32>
    %dot_general3A = arith.constant dense<0.000000e+00> : vector<1000x128xf32>
    %dot_general3A_16 = tpu.matmul %get3A_15, %get3A_4, %dot_general3A {dimension_numbers = #tpu.dot_dimension_numbers<[1], [0], [0], [1], [0, 0, 1, 1], [], []>, transpose_lhs_hint = false} : vector<1000x128xf32>, vector<128x128xf32>, vector<1000x128xf32> -> vector<1000x128xf32>
    %add3A = arith.addf %convert_element_type3A, %dot_general3A_16 : vector<1000x128xf32>
    %add3A_17 = vector.broadcast %get3A_7 : vector<1x128xf32> to vector<1000x128xf32>
    %add3A_18 = arith.addf %add3A, %add3A_17 : vector<1000x128xf32>
    %logistic3A = arith.negf %add3A_18 : vector<1000x128xf32>
    %logistic3A_19 = math.exp %logistic3A : vector<1000x128xf32>
    %logistic3A_20 = arith.constant 1.000000e+00 : f32
    %logistic3A_21 = vector.broadcast %logistic3A_20 : f32 to vector<1000x128xf32>
    %logistic3A_22 = arith.addf %logistic3A_21, %logistic3A_19 : vector<1000x128xf32>
    %logistic3A_23 = arith.divf %logistic3A_21, %logistic3A_22 : vector<1000x128xf32>
    %add3A_24 = arith.addf %broadcast_in_dim3A_8, %get3A_15 : vector<1000x128xf32>
    %mul3A = arith.mulf %logistic3A_23, %get3A_15 : vector<1000x128xf32>
    %add3A_25 = arith.addf %broadcast_in_dim3A_10, %mul3A : vector<1000x128xf32>
    %get3A_26 = arith.constant 1 : index
    %get3A_27 = arith.constant 0 : index
    %get3A_28 = arith.constant 0 : index
    %get3A_29 = vector.load %arg1[%get3A_26, %get3A_27, %get3A_28] : memref<4x1000x128xf32, #tpu.memory_space<vmem>>, vector<1x1000x128xf32>
    %get3A_30 = vector.shape_cast %get3A_29 : vector<1x1000x128xf32> to vector<1000x128xf32>
    %dot_general3A_31 = arith.constant dense<0.000000e+00> : vector<1000x128xf32>
    %dot_general3A_32 = tpu.matmul %get3A_30, %get3A_4, %dot_general3A_31 {dimension_numbers = #tpu.dot_dimension_numbers<[1], [0], [0], [1], [0, 0, 1, 1], [], []>, transpose_lhs_hint = false} : vector<1000x128xf32>, vector<128x128xf32>, vector<1000x128xf32> -> vector<1000x128xf32>
    %add3A_33 = arith.addf %convert_element_type3A, %dot_general3A_32 : vector<1000x128xf32>
    %add3A_34 = vector.broadcast %get3A_7 : vector<1x128xf32> to vector<1000x128xf32>
    %add3A_35 = arith.addf %add3A_33, %add3A_34 : vector<1000x128xf32>
    %logistic3A_36 = arith.negf %add3A_35 : vector<1000x128xf32>
    %logistic3A_37 = math.exp %logistic3A_36 : vector<1000x128xf32>
    %logistic3A_38 = arith.constant 1.000000e+00 : f32
    %logistic3A_39 = vector.broadcast %logistic3A_38 : f32 to vector<1000x128xf32>
    %logistic3A_40 = arith.addf %logistic3A_39, %logistic3A_37 : vector<1000x128xf32>
    %logistic3A_41 = arith.divf %logistic3A_39, %logistic3A_40 : vector<1000x128xf32>
    %add3A_42 = arith.addf %add3A_24, %get3A_30 : vector<1000x128xf32>
    %mul3A_43 = arith.mulf %logistic3A_41, %get3A_30 : vector<1000x128xf32>
    %add3A_44 = arith.addf %add3A_25, %mul3A_43 : vector<1000x128xf32>
    %get3A_45 = arith.constant 2 : index
    %get3A_46 = arith.constant 0 : index
    %get3A_47 = arith.constant 0 : index
    %get3A_48 = vector.load %arg1[%get3A_45, %get3A_46, %get3A_47] : memref<4x1000x128xf32, #tpu.memory_space<vmem>>, vector<1x1000x128xf32>
    %get3A_49 = vector.shape_cast %get3A_48 : vector<1x1000x128xf32> to vector<1000x128xf32>
    %dot_general3A_50 = arith.constant dense<0.000000e+00> : vector<1000x128xf32>
    %dot_general3A_51 = tpu.matmul %get3A_49, %get3A_4, %dot_general3A_50 {dimension_numbers = #tpu.dot_dimension_numbers<[1], [0], [0], [1], [0, 0, 1, 1], [], []>, transpose_lhs_hint = false} : vector<1000x128xf32>, vector<128x128xf32>, vector<1000x128xf32> -> vector<1000x128xf32>
    %add3A_52 = arith.addf %convert_element_type3A, %dot_general3A_51 : vector<1000x128xf32>
    %add3A_53 = vector.broadcast %get3A_7 : vector<1x128xf32> to vector<1000x128xf32>
    %add3A_54 = arith.addf %add3A_52, %add3A_53 : vector<1000x128xf32>
    %logistic3A_55 = arith.negf %add3A_54 : vector<1000x128xf32>
    %logistic3A_56 = math.exp %logistic3A_55 : vector<1000x128xf32>
    %logistic3A_57 = arith.constant 1.000000e+00 : f32
    %logistic3A_58 = vector.broadcast %logistic3A_57 : f32 to vector<1000x128xf32>
    %logistic3A_59 = arith.addf %logistic3A_58, %logistic3A_56 : vector<1000x128xf32>
    %logistic3A_60 = arith.divf %logistic3A_58, %logistic3A_59 : vector<1000x128xf32>
    %add3A_61 = arith.addf %add3A_42, %get3A_49 : vector<1000x128xf32>
    %mul3A_62 = arith.mulf %logistic3A_60, %get3A_49 : vector<1000x128xf32>
    %add3A_63 = arith.addf %add3A_44, %mul3A_62 : vector<1000x128xf32>
    %get3A_64 = arith.constant 3 : index
    %get3A_65 = arith.constant 0 : index
    %get3A_66 = arith.constant 0 : index
    %get3A_67 = vector.load %arg1[%get3A_64, %get3A_65, %get3A_66] : memref<4x1000x128xf32, #tpu.memory_space<vmem>>, vector<1x1000x128xf32>
    %get3A_68 = vector.shape_cast %get3A_67 : vector<1x1000x128xf32> to vector<1000x128xf32>
    %dot_general3A_69 = arith.constant dense<0.000000e+00> : vector<1000x128xf32>
    %dot_general3A_70 = tpu.matmul %get3A_68, %get3A_4, %dot_general3A_69 {dimension_numbers = #tpu.dot_dimension_numbers<[1], [0], [0], [1], [0, 0, 1, 1], [], []>, transpose_lhs_hint = false} : vector<1000x128xf32>, vector<128x128xf32>, vector<1000x128xf32> -> vector<1000x128xf32>
    %add3A_71 = arith.addf %convert_element_type3A, %dot_general3A_70 : vector<1000x128xf32>
    %add3A_72 = vector.broadcast %get3A_7 : vector<1x128xf32> to vector<1000x128xf32>
    %add3A_73 = arith.addf %add3A_71, %add3A_72 : vector<1000x128xf32>
    %logistic3A_74 = arith.negf %add3A_73 : vector<1000x128xf32>
    %logistic3A_75 = math.exp %logistic3A_74 : vector<1000x128xf32>
    %logistic3A_76 = arith.constant 1.000000e+00 : f32
    %logistic3A_77 = vector.broadcast %logistic3A_76 : f32 to vector<1000x128xf32>
    %logistic3A_78 = arith.addf %logistic3A_77, %logistic3A_75 : vector<1000x128xf32>
    %logistic3A_79 = arith.divf %logistic3A_77, %logistic3A_78 : vector<1000x128xf32>
    %add3A_80 = arith.addf %add3A_61, %get3A_68 : vector<1000x128xf32>
    %mul3A_81 = arith.mulf %logistic3A_79, %get3A_68 : vector<1000x128xf32>
    %add3A_82 = arith.addf %add3A_63, %mul3A_81 : vector<1000x128xf32>
    %get3A_83 = arith.constant 0 : index
    %get3A_84 = arith.constant 0 : index
    %get3A_85 = vector.load %arg2[%get3A_83, %get3A_84] : memref<1000x128xbf16, #tpu.memory_space<vmem>>, vector<1000x128xbf16>
    %convert_element_type3A_86 = arith.extf %get3A_85 : vector<1000x128xbf16> to vector<1000x128xf32>
    %get3A_87 = arith.constant 0 : index
    %get3A_88 = arith.constant 0 : index
    %get3A_89 = vector.load %arg5[%get3A_87, %get3A_88] : memref<128x128xf32, #tpu.memory_space<vmem>>, vector<128x128xf32>
    %dot_general3A_90 = arith.constant dense<0.000000e+00> : vector<1000x128xf32>
    %dot_general3A_91 = tpu.matmul %add3A_80, %get3A_89, %dot_general3A_90 {dimension_numbers = #tpu.dot_dimension_numbers<[1], [0], [0], [1], [0, 0, 1, 1], [], []>, transpose_lhs_hint = false} : vector<1000x128xf32>, vector<128x128xf32>, vector<1000x128xf32> -> vector<1000x128xf32>
    %add3A_92 = arith.addf %convert_element_type3A_86, %dot_general3A_91 : vector<1000x128xf32>
    %get3A_93 = arith.constant 0 : index
    %get3A_94 = arith.constant 0 : index
    %get3A_95 = vector.load %arg8[%get3A_93, %get3A_94] : memref<1x128xf32, #tpu.memory_space<vmem>>, vector<1x128xf32>
    %add3A_96 = vector.broadcast %get3A_95 : vector<1x128xf32> to vector<1000x128xf32>
    %add3A_97 = arith.addf %add3A_92, %add3A_96 : vector<1000x128xf32>
    %logistic3A_98 = arith.negf %add3A_97 : vector<1000x128xf32>
    %logistic3A_99 = math.exp %logistic3A_98 : vector<1000x128xf32>
    %logistic3A_100 = arith.constant 1.000000e+00 : f32
    %logistic3A_101 = vector.broadcast %logistic3A_100 : f32 to vector<1000x128xf32>
    %logistic3A_102 = arith.addf %logistic3A_101, %logistic3A_99 : vector<1000x128xf32>
    %logistic3A_103 = arith.divf %logistic3A_101, %logistic3A_102 : vector<1000x128xf32>
    %get3A_104 = arith.constant 0 : index
    %get3A_105 = arith.constant 0 : index
    %get3A_106 = vector.load %arg4[%get3A_104, %get3A_105] : memref<1000x128xbf16, #tpu.memory_space<vmem>>, vector<1000x128xbf16>
    %convert_element_type3A_107 = arith.extf %get3A_106 : vector<1000x128xbf16> to vector<1000x128xf32>
    %get3A_108 = arith.constant 0 : index
    %get3A_109 = arith.constant 0 : index
    %get3A_110 = vector.load %arg7[%get3A_108, %get3A_109] : memref<128x128xf32, #tpu.memory_space<vmem>>, vector<128x128xf32>
    %dot_general3A_111 = arith.constant dense<0.000000e+00> : vector<1000x128xf32>
    %dot_general3A_112 = tpu.matmul %add3A_82, %get3A_110, %dot_general3A_111 {dimension_numbers = #tpu.dot_dimension_numbers<[1], [0], [0], [1], [0, 0, 1, 1], [], []>, transpose_lhs_hint = false} : vector<1000x128xf32>, vector<128x128xf32>, vector<1000x128xf32> -> vector<1000x128xf32>
    %add3A_113 = arith.addf %convert_element_type3A_107, %dot_general3A_112 : vector<1000x128xf32>
    %get3A_114 = arith.constant 0 : index
    %get3A_115 = arith.constant 0 : index
    %get3A_116 = vector.load %arg10[%get3A_114, %get3A_115] : memref<1x128xf32, #tpu.memory_space<vmem>>, vector<1x128xf32>
    %add3A_117 = vector.broadcast %get3A_116 : vector<1x128xf32> to vector<1000x128xf32>
    %add3A_118 = arith.addf %add3A_113, %add3A_117 : vector<1000x128xf32>
    %tanh3A = math.tanh %add3A_118 : vector<1000x128xf32>
    %sub3A = arith.constant 1.000000e+00 : f32
    %sub3A_119 = vector.broadcast %sub3A : f32 to vector<1000x128xf32>
    %sub3A_120 = arith.subf %sub3A_119, %logistic3A_103 : vector<1000x128xf32>
    %mul3A_121 = arith.mulf %sub3A_120, %add3A_80 : vector<1000x128xf32>
    %mul3A_122 = arith.mulf %logistic3A_103, %tanh3A : vector<1000x128xf32>
    %add3A_123 = arith.addf %mul3A_121, %mul3A_122 : vector<1000x128xf32>
    %iota3A = tpu.iota {dimensions = array<i32: 0>} : vector<1000x128xi32>
    %add3A_124 = arith.constant 40 : i32
    %add3A_125 = arith.addi %arg0, %add3A_124 : i32
    %mul3A_126 = arith.constant 1000 : i32
    %mul3A_127 = arith.muli %add3A_125, %mul3A_126 : i32
    %add3A_128 = vector.broadcast %mul3A_127 : i32 to vector<1000x128xi32>
    %add3A_129 = arith.addi %iota3A, %add3A_128 : vector<1000x128xi32>
    %iota3A_130 = tpu.iota {dimensions = array<i32: 1>} : vector<1000x128xi32>
    %eq3A = arith.constant 0 : i32
    %eq3A_131 = vector.broadcast %eq3A : i32 to vector<1000x128xi32>
    %eq3A_132 = arith.cmpi eq, %add3A_129, %eq3A_131 : vector<1000x128xi32>
    %lt3A = arith.constant 64 : i32
    %lt3A_133 = vector.broadcast %lt3A : i32 to vector<1000x128xi32>
    %lt3A_134 = arith.cmpi slt, %iota3A_130, %lt3A_133 : vector<1000x128xi32>
    %and3A = arith.andi %eq3A_132, %lt3A_134 : vector<1000x128xi1>
    %jit3A = arith.constant 0.000000e+00 : f32
    %broadcast_in_dim3A_135 = vector.broadcast %jit3A : f32 to vector<1000x128xf32>
    %select_n3A = arith.select %and3A, %broadcast_in_dim3A_135, %add3A_123 : vector<1000x128xi1>, vector<1000x128xf32>
    %swap3A = arith.constant 0 : index
    %swap3A_136 = arith.constant 0 : index
    %swap3A_137 = vector.load %arg11[%swap3A, %swap3A_136] : memref<1000x128xf32, #tpu.memory_space<vmem>>, vector<1000x128xf32>
    tpu.vector_store %arg11[%swap3A, %swap3A_136], %select_n3A {strides = array<i32>} : memref<1000x128xf32, #tpu.memory_space<vmem>>, vector<1000x128xf32>,
    return
  }
  func.func @transform_0(%arg0: i32) -> (i32, i32, i32) {
    %c0_i32 = arith.constant 0 : i32
    %c0_i32_0 = arith.constant 0 : i32
    %c0_i32_1 = arith.constant 0 : i32
    return %c0_i32, %arg0, %c0_i32_0 : i32, i32, i32
  }
  func.func @transform_1(%arg0: i32) -> (i32, i32) {
    %add3A = arith.constant 40 : i32
    %add3A_0 = arith.addi %arg0, %add3A : i32
    %c0_i32 = arith.constant 0 : i32
    %c0_i32_1 = arith.constant 0 : i32
    return %add3A_0, %c0_i32 : i32, i32
  }
  func.func @transform_2(%arg0: i32) -> (i32, i32) {
    %add3A = arith.constant 40 : i32
    %add3A_0 = arith.addi %arg0, %add3A : i32
    %c0_i32 = arith.constant 0 : i32
    %c0_i32_1 = arith.constant 0 : i32
    return %add3A_0, %c0_i32 : i32, i32
  }
  func.func @transform_3(%arg0: i32) -> (i32, i32) {
    %add3A = arith.constant 40 : i32
    %add3A_0 = arith.addi %arg0, %add3A : i32
    %c0_i32 = arith.constant 0 : i32
    %c0_i32_1 = arith.constant 0 : i32
    return %add3A_0, %c0_i32 : i32, i32
  }
  func.func @transform_4(%arg0: i32) -> (i32, i32) {
    %c0_i32 = arith.constant 0 : i32
    %c0_i32_0 = arith.constant 0 : i32
    %c0_i32_1 = arith.constant 0 : i32
    return %c0_i32, %c0_i32_0 : i32, i32
  }
  func.func @transform_5(%arg0: i32) -> (i32, i32) {
    %c0_i32 = arith.constant 0 : i32
    %c0_i32_0 = arith.constant 0 : i32
    %c0_i32_1 = arith.constant 0 : i32
    return %c0_i32, %c0_i32_0 : i32, i32
  }
  func.func @transform_6(%arg0: i32) -> (i32, i32) {
    %c0_i32 = arith.constant 0 : i32
    %c0_i32_0 = arith.constant 0 : i32
    %c0_i32_1 = arith.constant 0 : i32
    return %c0_i32, %c0_i32_0 : i32, i32
  }
  func.func @transform_7(%arg0: i32) -> (i32, i32) {
    %c0_i32 = arith.constant 0 : i32
    %c0_i32_0 = arith.constant 0 : i32
    %c0_i32_1 = arith.constant 0 : i32
    return %c0_i32, %c0_i32_0 : i32, i32
  }
  func.func @transform_8(%arg0: i32) -> (i32, i32) {
    %c0_i32 = arith.constant 0 : i32
    %c0_i32_0 = arith.constant 0 : i32
    %c0_i32_1 = arith.constant 0 : i32
    return %c0_i32, %c0_i32_0 : i32, i32
  }
  func.func @transform_9(%arg0: i32) -> (i32, i32) {
    %c0_i32 = arith.constant 0 : i32
    %c0_i32_0 = arith.constant 0 : i32
    %c0_i32_1 = arith.constant 0 : i32
    return %c0_i32, %c0_i32_0 : i32, i32
  }
  func.func @transform_10(%arg0: i32) -> (i32, i32) {
    %c0_i32 = arith.constant 0 : i32
    %c0_i32_0 = arith.constant 0 : i32
    return %arg0, %c0_i32 : i32, i32
  }
}

</mosaic_0001>

<sc_bundles>
// kernel: kernel.12.cloned.1.call-start
scs
__scs_entry_jumppad:
0x0: {  	(pc) =	sbr.rel $0x88, $3  }
0x1: {  	(tag) =	ssettag $0x0;
	lr =	simm.s32 $0x1  }
0x2: {  	[smem:$0x3F98] =	sst lr;
	_ =	strace $0xD0000000  }
0x3: {  	_ = 	snop  }
0x4: {  	_ = 	snop  }
0x5: {  	_ = 	snop  }
0x6: {  	_ = 	snop  }
0x7: {  	_ = 	snop  }
__scs_overlays_trampoline_lowered:
0x8: {  	[smem:$0x3FA7] =	sst s0  }
0x9: {  	[smem:$0x3FA8] =	sst s1  }
0xa: {  	[smem:$0x3FA9] =	sst s2  }
0xb: {  	[smem:$0x3FAA] =	sst s3  }
0xc: {  	[smem:$0x3FAB] =	sst s4  }
0xd: {  	[smem:$0x3FAC] =	sst s5  }
0xe: {  	[smem:$0x3FAD] =	sst s6  }
0xf: {  	[smem:$0x3FAE] =	sst s7  }
0x10: {  	[smem:$0x3FAF] =	sst s8  }
0x11: {  	[smem:$0x3FB0] =	sst s9;
	s0 =	simm.s32 @!p0 $0x0  }
0x12: {  	s1 =	sld [smem:$0x3F96];
	s0 =	simm.s32 @p0 $0x1  }
0x13: {  	[smem:$0x3FB1] =	sst s0;
	s0 =	simm.s32 @!p1 $0x0  }
0x14: {  	s2 =	sld [smem:$0x3F95];
	s0 =	simm.s32 @p1 $0x1  }
0x15: {  	[smem:$0x3FB2] =	sst s0;
	s0 =	simm.s32 @!p2 $0x0  }
0x16: {  	s3 =	sld [smem:$0x3FDB];
	s0 =	simm.s32 @p2 $0x1  }
0x17: {  	s4 =	simm.s32 $0x1BF5;
	[smem:$0x3FB4] =	sst s0  }
0x18: {  	s0 =	sld [smem:$0x3F97];
	_ =	swait.ge [sflag:s4], $0x0  }
0x19: {  	s7 =	sld [smem:$0x3F98]  }
0x1a: {  	s8 =	sadd.s32 $0xFFFFE003, lr  }
0x1b: {  	s9 =	sadd.s32 $0xFFFFFEF7, lr;
	s5 =	simm.s32 $0xFFFFFFFF;
	p2 =	slt.u32 s8, $0xFFFFF086  }
0x1c: {  	p1 =	slt.u32 s9, $0xF7A;
	s5 =	simm.s32 @!p2 $0x0  }
0x1d: {  	s5 =	simm.s32 @p1 $0x1;
	p0 =	seq.s32 s7, s2  }
0x1e: {  	s7 =	smul.u32 @!p0 $0xF7A, s2;
	p2 =	seq.s32 @!p0 s5, $0x0  }
0x1f: {  	s9 =	smul.u32 $0xF7A, s1;
	s8 =	simm.s32 @!p0 $0x1BF5;
	p2 =	por !p2, p0  }
0x20: {  	[sflag:s8] =	ssyncset.s32 @!p0 $0xFFFFF086;
	s6 =	sadd.s32 @!p0 s3, s7;
	s7 =	simm.s32 @!p0 $0x108  }
0x21: {  	s3 =	sadd.s32 s3, s9;
	s6 =	sadd.s32 @!p0 $0x88, s6;
	s7 =	simm.s32 @p2 $0x1082  }
0x22: {  	[simem:s7], [sflag:s8] =	dma.local @!p0 [hbm:s6], $0xF7A  }
0x23: {  	s9 =	sor.u32 $0xD0000000, s2;
	s6 =	simm.s32 $0x108;
	_ =	swait.ge @!p0 [sflag:s8], $0x0  }
0x24: {  	s3 =	sadd.s32 $0x88, s3;
	s6 =	simm.s32 @!p1 $0x1082;
	[sflag:s4] =	ssyncset.s32 $0xFFFFF086  }
0x25: {  	[simem:s6], [sflag:s4] =	dma.local [hbm:s3], $0xF7A  }
0x26: {  	[smem:$0x3F98] =	sst s1;
	(tag) =	ssettag s2;
	_ =	strace s9  }
0x27: {  	s1 =	sld [smem:$0x3FA8]  }
0x28: {  	s2 =	sld [smem:$0x3FA9]  }
0x29: {  	s4 =	sld [smem:$0x3FAB]  }
0x2a: {  	p0 =	seq.s32 s5, $0x0;
	s5 =	sld [smem:$0x3FAC]  }
0x2b: {  	s6 =	sld [smem:$0x3FAD]  }
0x2c: {  	s7 =	sld [smem:$0x3FAE]  }
0x2d: {  	s3 =	simm.s32 $0x108;
	s8 =	sld [smem:$0x3FAF]  }
0x2e: {  	s3 =	simm.s32 @!p0 $0x1082;
	s9 =	sld [smem:$0x3FB0]  }
0x2f: {  	lr =	sadd.s32 s0, s3;
	s0 =	sld [smem:$0x3FA7]  }
0x30: {  	s3 =	sld [smem:$0x3FAA]  }
0x31: {  	[smem:$0x3FB3] =	sst s10  }
0x32: {  	s10 =	sld [smem:$0x3FB1];
	_ =	sdelay $0x3  }
0x33: {  	p0 =	seq.s32 s10, $0x1;
	s10 =	sld [smem:$0x3FB3];
	_ =	sdelay $0x3  }
0x34: {  	[smem:$0x3FB3] =	sst s10  }
0x35: {  	s10 =	sld [smem:$0x3FB2];
	_ =	sdelay $0x3  }
0x36: {  	p1 =	seq.s32 s10, $0x1;
	s10 =	sld [smem:$0x3FB3];
	_ =	sdelay $0x3  }
0x37: {  	[smem:$0x3FB3] =	sst s10  }
0x38: {  	s10 =	sld [smem:$0x3FB4]  }
0x39: {  	_ = 	snop;
	(pc) =	sbr.ind lr, $3  }
0x3a: {  	_ = 	snop  }
0x3b: {  	_ = 	snop  }
0x3c: {  	p2 =	seq.s32 s10, $0x1;
	s10 =	sld [smem:$0x3FB3]  }
0x3d: {  	_ =	shalt  }
0x3e: {  	_ =	shalt  }
0x3f: {  	_ =	shalt  }
0x40: {  	_ =	shalt  }
0x41: {  	_ =	shalt  }
0x42: {  	_ =	shalt  }
0x43: {  	_ =	shalt  }
0x44: {  	_ =	shalt  }
0x45: {  	_ =	shalt  }
0x46: {  	_ =	shalt  }
0x47: {  	_ =	shalt  }
0x48: {  	_ =	shalt  }
0x49: {  	_ =	shalt  }
0x4a: {  	_ =	shalt  }
0x4b: {  	_ =	shalt  }
0x4c: {  	_ =	shalt  }
0x4d: {  	_ =	shalt  }
0x4e: {  	_ =	shalt  }
0x4f: {  	_ =	shalt  }
0x50: {  	_ =	shalt  }
0x51: {  	_ =	shalt  }
0x52: {  	_ =	shalt  }
0x53: {  	_ =	shalt  }
0x54: {  	_ =	shalt  }
0x55: {  	_ =	shalt  }
0x56: {  	_ =	shalt  }
0x57: {  	_ =	shalt  }
0x58: {  	_ =	shalt  }
0x59: {  	_ =	shalt  }
0x5a: {  	_ =	shalt  }
0x5b: {  	_ =	shalt  }
0x5c: {  	_ =	shalt  }
0x5d: {  	_ =	shalt  }
0x5e: {  	_ =	shalt  }
0x5f: {  	_ =	shalt  }
0x60: {  	_ =	shalt  }
0x61: {  	_ =	shalt  }
0x62: {  	_ =	shalt  }
0x63: {  	_ =	shalt  }
0x64: {  	_ =	shalt  }
0x65: {  	_ =	shalt  }
0x66: {  	_ =	shalt  }
0x67: {  	_ =	shalt  }
0x68: {  	_ =	shalt  }
0x69: {  	_ =	shalt  }
0x6a: {  	_ =	shalt  }
0x6b: {  	_ =	shalt  }
0x6c: {  	_ =	shalt  }
0x6d: {  	_ =	shalt  }
0x6e: {  	_ =	shalt  }
0x6f: {  	_ =	shalt  }
0x70: {  	_ =	shalt  }
0x71: {  	_ =	shalt  }
0x72: {  	_ =	shalt  }
0x73: {  	_ =	shalt  }
0x74: {  	_ =	shalt  }
0x75: {  	_ =	shalt  }
0x76: {  	_ =	shalt  }
0x77: {  	_ =	shalt  }
0x78: {  	_ =	shalt  }
0x79: {  	_ =	shalt  }
0x7a: {  	_ =	shalt  }
0x7b: {  	_ =	shalt  }
0x7c: {  	_ =	shalt  }
0x7d: {  	_ =	shalt  }
0x7e: {  	_ =	shalt  }
0x7f: {  	_ =	shalt  }
0x80: {  	_ =	shalt  }
0x81: {  	_ =	shalt  }
0x82: {  	_ =	shalt  }
0x83: {  	_ =	shalt  }
0x84: {  	_ =	shalt  }
0x85: {  	_ =	shalt  }
0x86: {  	_ =	shalt  }
0x87: {  	_ =	shalt  }
.Lfunc_end0:
.L_simem_size_0:
called_computation.2_lowered:
.L_overlay_start_0:
0x88: {  	s2 =	sld [smem:$0x3FD9]  }
0x89: {  	s3 =	sld [smem:$0x3FFE];
	_ =	sdelay $0x1  }
0x8a: {  	s1 =	srdreg.scid  }
0x8b: {  	s0 =	sand.u32 $0x1, s1  }
0x8c: {  	s17 =	sshll.u32 s0, $0xA;
	s2 =	sadd.s32 s3, s2  }
0x8d: {  	s2 =	sadd.s32 s2, s17  }
0x8e: {  	[smem:$0x3FBF] =	sst s2  }
0x8f: {  	_ = 	snop  }
0x90: {  	s2 =	sld [smem:$0x3FD0];
	(tm) =	ssettm $0x1  }
0x91: {  	s18 =	sld [smem:$0x3FFB];
	_ =	sdelay $0x3  }
0x92: {  	_ =	strace s18  }
0x93: {  	s3 =	sld [smem:$0x3FFC];
	_ =	sdelay $0x3  }
0x94: {  	_ =	strace s3  }
0x95: {  	s3 =	sld [smem:$0x3FFD];
	_ =	sdelay $0x3  }
0x96: {  	_ =	strace s3  }
0x97: {  	_ =	strace $0x8FFFFFFF  }
0x98: {  	s19 =	sld [smem:$0x3FDB];
	_ =	sdelay $0x1  }
0x99: {  	s4 =	simm.s32 $_scs_section_size  }
0x9a: {  	s5 =	simm.s32 $_size__tile_overlayer_lowered;
	s6 =	simm.s32 $_tile_overlayer_lowered  }
0x9b: {  	s22 =	simm.s32 $0x1BFF;
	s21 =	sshll.u32 s6, $0x1;
	s3 =	sadd.s32 s4, s19  }
0x9c: {  	s7 =	simm.s32 $0x0;
	s20 =	sshll.u32 s5, $0x1;
	s5 =	sadd.s32 s21, s3  }
0x9d: {  	[timem:s7], [sflag:s22] =	dma.local [hbm:s5], s20  }
0x9e: {  	_ =	swait.ge [sflag:s22], s20  }
0x9f: {  	s4 =	ssub.s32 $0x0, s20;
	[sflag:s22] =	ssyncset.done $0x0  }
0xa0: {  	[sflag:s22] =	ssyncadd.s32 s4;
	_ =	sdelay $0x1  }
0xa1: {  	s23 =	simm.s32 $0x1B8B  }
0xa2: {  	_ =	swait.ge [sflag:s23], $0x1  }
0xa3: {  	[sflag:s23] =	ssyncset.done $0x0  }
0xa4: {  	s25 =	simm.s32 $0x1B8E;
	s24 =	sld [smem:$0x3FFE];
	[sflag:s23] =	ssyncadd.s32 $0xFFFFFFFF  }
0xa5: {  	s26 =	simm.s32 $execute0_lowered;
	[smem:$0x3FD2] =	sst s25  }
0xa6: {  	s5 =	sshll.u32 s26, $0x1;
	_ =	strace $0x80000049;
	[dreg:$0x1] =	wrdreg $0xFFFFFFFF  }
0xa7: {  	s28 =	simm.s32 $_size_execute0_lowered;
	s3 =	sadd.s32 s3, s5;
	[dreg:$0x0] =	wrdreg $0x0  }
0xa8: {  	s5 =	sshll.u32 s28, $0x1;
	[dreg:$0x2] =	wrdreg s3  }
0xa9: {  	[dreg:$0x3] =	wrdreg s5  }
0xaa: {  	[dreg:$0x4] =	wrdreg $0xC0  }
0xab: {  	_ =	task [dreg:s7], $0x5FFFF  }
0xac: {  	[dreg:$0x1] =	wrdreg $0xFFFFFFFF  }
0xad: {  	[dreg:$0x0] =	wrdreg $0x60  }
0xae: {  	[dreg:$0x2] =	wrdreg s2  }
0xaf: {  	[dreg:$0x3] =	wrdreg s24  }
0xb0: {  	[dreg:$0x4] =	wrdreg $0x9  }
0xb1: {  	_ =	task.clear_ibuf [dreg:s7], $0x5FFFF;
	_ =	strace $0x90000049  }
0xb2: {  	s29 =	simm.s32 $0x9;
	_ =	strace $0x8000004B  }
0xb3: {  	_ =	swait.ge [sflag:s29], $0x1  }
0xb4: {  	[sflag:s29] =	ssyncadd.s32 $0xFFFFFFFF  }
0xb5: {  	_ =	strace $0x9000004B  }
0xb6: {  	_ =	sfence  }
0xb7: {  	s30 =	sld [smem:$0x0];
	_ =	sdelay $0x2  }
0xb8: {  	s31 =	sshll.u32 s1, $0xD;
	s1 =	sshrl.u32 s1, $0x2  }
0xb9: {  	s3 =	sand.u32 $0x4000, s31;
	s1 =	sadd.s32 s1, s30  }
0xba: {  	s0 =	sor.u32 s3, s0;
	s1 =	sshll.u32 s1, $0x11  }
0xbb: {  	s0 =	sor.u32 s1, s0  }
0xbc: {  	s0 =	sadd.s32 $0x8F2B, s0  }
0xbd: {  	[sflag:s0] =	ssyncadd.remote.s32 $0x1  }
0xbe: {  	_ =	sfence.sel $0xFFFF  }
0xbf: {  	[dreg:$0x0] =	wrdreg $0xFFFFFFFF;
	(pc) =	sbr.abs _section_cstart, $3  }
0xc0: {  	[dreg:$0x1] =	wrdreg $0xFFFFFFFF  }
0xc1: {  	_ =	task.clear_ibuf [dreg:s7], $0x2FFFF;
	_ =	strace $0x9FFFFFFF  }
0xc2: {  	(tm) =	ssettm $0x7FFFFFFF  }
0xc3: {  	_ =	shalt  }
tec
execute0_lowered:
.L_overlay_start_1:
0x0: {  	(tag) =	ssettag $0x1  }
0x1: {  	s2 =	rddreg [dreg:$0x0];
	s1 =	srdreg.scid  }
0x2: {  	s0 =	stileid.u32;
	s4 =	rddreg [dreg:$0x1]  }
0x3: {  	s3 =	simm.s32 $0x0;
	s13 =	simm.s32 $0x1;
	s14 =	simm.s32 $0x5910  }
0x4: {  	s15 =	simm.s32 $0x2;
	s16 =	simm.s32 $0x3;
	s17 =	simm.s32 $0x4  }
0x5: {  	s18 =	simm.s32 $0x0;
	s5 =	sand.u32 $0x1, s1;
	s9 =	smul.u32 $0x4E20, s0  }
0x6: {  	s6 =	sshll.u32 s0, $0x1;
	s1 =	rddreg [dreg:$0x2];
	s26 =	smul.u32 $0x27100, s0  }
0x7: {  	[smem:$0x7FF] =	sst s3;
	s12 =	sadd.s32 $0x3C2600, s4;
	s11 =	smul.u32 $0x2710, s5  }
0x8: {  	s6 =	sor.u32 s5, s6;
	s8 =	ssub.s32 $0x2, s5;
	s29 =	smul.u32 $0x13880, s5  }
0x9: {  	_ =	strace $0x8000004A;
	s7 =	smul.u32 $0x2710, s6;
	s10 =	sshrl.u32 s8, $0x1  }
0xa: {  	s6 =	smul.u32 $0x13880, s6;
	s30 =	sadd.s32 s26, s12;
	s8 =	ssub.s32 s8, s10  }
0xb: {  	s28 =	sadd.s32 s11, s9;
	s9 =	sadd.s32 s29, s30;
	s7 =	sshrl.u32 s7, $0x3  }
0xc: {  	s10 =	simm.s32 $0x5;
	s11 =	simm.s32 $0xC8;
	s7 =	sadd.s32 s7, s4  }
0xd: {  	s5 =	smax.u32 s8, $0x1;
	s4 =	sadd.s32 $0xACE00, s7;
	s7 =	sshll.u32 s28, $0x3  }
0xe: {  	s6 =	sadd.s32 s12, s6;
	s9 =	sadd.s32 $0xC80, s9;
	s31 =	sadd.s32 s12, s7  }
0xf: {  	s7 =	sadd.s32 $0x640, s6;
	s12 =	simm.s32 $0x2710;
	s8 =	sadd.s32 $0x12C0, s31  }
.LBB2_1:
0x10: {  	[tilespmem:s3], [sflag:$0x5] =	stream.linear.gather [hbm4b:s4+s3], $0x2710, $0x38;
	[tilespmem:$0x8B10] =	vst v63  }
0x11: {  	_ =	swait.ge [sflag:s10], $0x2710  }
0x12: {  	[sflag:s10] =	ssyncset.done $0x0  }
0x13: {  	[sflag:s10] =	ssyncadd.s32 $0xFFFFD8F0  }
0x14: {  	[tilespmem:s12], [sflag:$0x1] =	stream.indirect.gather [hbm4b:s2+s11], $0x40, s3, s11, $0xb8;
	[tilespmem:$0x8B10] =	vst v63  }
0x15: {  	_ =	swait.ge [sflag:s13], $0x3200  }
0x16: {  	[sflag:s13] =	ssyncset.done $0x0  }
0x17: {  	[sflag:s13] =	ssyncadd.s32 $0xFFFFCE00  }
0x18: {  	[hbm4b:s6+s3] =	stream.linear.scatter [tilespmem:s12], [sflag:$0x3], $0x3200, $0x38;
	[tilespmem:$0x8B10] =	vst v63  }
0x19: {  	_ = 	snop  }
0x1a: {  	[tilespmem:s14], [sflag:$0x2] =	stream.indirect.gather [hbm4b:s2+s11], $0x40, s11, s11, $0xb8;
	[tilespmem:$0x8B10] =	vst v63  }
0x1b: {  	_ =	swait.ge [sflag:s15], $0x3200  }
0x1c: {  	[sflag:s15] =	ssyncset.done $0x0  }
0x1d: {  	[sflag:s15] =	ssyncadd.s32 $0xFFFFCE00  }
0x1e: {  	[hbm4b:s7+s3] =	stream.linear.scatter [tilespmem:s14], [sflag:$0x4], $0x3200, $0x38;
	[tilespmem:$0x8B10] =	vst v63  }
0x1f: {  	_ =	swait.ge [sflag:s16], $0x3200  }
0x20: {  	[sflag:s16] =	ssyncset.done $0x0  }
0x21: {  	s19 =	simm.s32 $0x190;
	[sflag:s16] =	ssyncadd.s32 $0xFFFFCE00  }
0x22: {  	[tilespmem:s12], [sflag:$0x1] =	stream.indirect.gather [hbm4b:s2+s11], $0x40, s19, s11, $0xb8;
	[tilespmem:$0x8B10] =	vst v63  }
0x23: {  	_ =	swait.ge [sflag:s13], $0x3200  }
0x24: {  	[sflag:s13] =	ssyncset.done $0x0  }
0x25: {  	s30 =	sadd.s32 $0x0, s9;
	[sflag:s13] =	ssyncadd.s32 $0xFFFFCE00  }
0x26: {  	[hbm4b:s30+s3] =	stream.linear.scatter [tilespmem:s12], [sflag:$0x3], $0x3200, $0x38;
	[tilespmem:$0x8B10] =	vst v63  }
0x27: {  	_ =	swait.ge [sflag:s17], $0x3200  }
0x28: {  	[sflag:s17] =	ssyncset.done $0x0  }
0x29: {  	s31 =	simm.s32 $0x258;
	[sflag:s17] =	ssyncadd.s32 $0xFFFFCE00  }
0x2a: {  	[tilespmem:s14], [sflag:$0x2] =	stream.indirect.gather [hbm4b:s2+s11], $0x40, s31, s11, $0xb8;
	[tilespmem:$0x8B10] =	vst v63  }
0x2b: {  	_ =	swait.ge [sflag:s15], $0x3200  }
0x2c: {  	s21 =	sadd.s32 $0x0, s8;
	[sflag:s15] =	ssyncset.done $0x0  }
0x2d: {  	s20 =	simm.s32 $0x3E8;
	s19 =	simm.s32 $0xC80;
	[sflag:s15] =	ssyncadd.s32 $0xFFFFCE00  }
.LBB2_2:
0x2e: {  	[hbm4b:s21+s3] =	stream.linear.scatter [tilespmem:s14], [sflag:$0x4], $0x3200, $0x38;
	[tilespmem:$0x8B10] =	vst v63  }
0x2f: {  	s21 =	smov.u32 s19  }
0x30: {  	p0 =	sne.s32 s19, $0x11F80;
	s19 =	sadd.s32 $0xC80, s19;
	_ =	swait.ge [sflag:s16], $0x3200  }
0x31: {  	[sflag:s16] =	ssyncset.done $0x0  }
0x32: {  	s22 =	sadd.s32 $0xFFFFFF38, s20;
	[sflag:s16] =	ssyncadd.s32 $0xFFFFCE00  }
0x33: {  	[tilespmem:s12], [sflag:$0x1] =	stream.indirect.gather [hbm4b:s2+s11], $0x40, s22, s11, $0xb8;
	[tilespmem:$0x8B10] =	vst v63  }
0x34: {  	_ =	swait.ge [sflag:s13], $0x3200  }
0x35: {  	[sflag:s13] =	ssyncset.done $0x0  }
0x36: {  	s22 =	sadd.s32 s21, s9;
	[sflag:s13] =	ssyncadd.s32 $0xFFFFCE00  }
0x37: {  	[hbm4b:s22+s3] =	stream.linear.scatter [tilespmem:s12], [sflag:$0x3], $0x3200, $0x38;
	[tilespmem:$0x8B10] =	vst v63  }
0x38: {  	_ =	swait.ge [sflag:s17], $0x3200  }
0x39: {  	[sflag:s17] =	ssyncset.done $0x0  }
.Ltmp0:
0x3a: {  	[sflag:s17] =	ssyncadd.s32 $0xFFFFCE00;
	(pc) =	sbr.rel @p0 .LBB2_2-.Ltmp0, $4  }
0x3b: {  	[tilespmem:s14], [sflag:$0x2] =	stream.indirect.gather [hbm4b:s2+s11], $0x40, s20, s11, $0xb8;
	[tilespmem:$0x8B10] =	vst v63  }
0x3c: {  	_ =	swait.ge [sflag:s15], $0x3200  }
0x3d: {  	[sflag:s15] =	ssyncset.done $0x0  }
0x3e: {  	s21 =	sadd.s32 s21, s8;
	s20 =	sadd.s32 $0x190, s20;
	[sflag:s15] =	ssyncadd.s32 $0xFFFFCE00  }
0x3f: {  	[hbm4b:s21+s3] =	stream.linear.scatter [tilespmem:s14], [sflag:$0x4], $0x3200, $0x38;
	[tilespmem:$0x8B10] =	vst v63  }
0x40: {  	s18 =	sadd.s32 $0x1, s18  }
0x41: {  	_ =	swait.ge [sflag:s16], $0x3200;
	p0 =	sne.s32 s18, s5  }
.Ltmp1:
0x42: {  	[sflag:s16] =	ssyncset.done $0x0;
	(pc) =	sbr.rel @p0 .LBB2_1-.Ltmp1, $4  }
0x43: {  	[sflag:s16] =	ssyncadd.s32 $0xFFFFCE00  }
0x44: {  	_ =	swait.ge [sflag:s17], $0x3200  }
0x45: {  	[sflag:s17] =	ssyncset.done $0x0  }
0x46: {  	[sflag:s17] =	ssyncadd.s32 $0xFFFFCE00  }
0x47: {  	_ =	sfence.sel $0x180000  }
0x48: {  	[bflag:$0x0] =	sbarrier.arrive $0xFFFF  }
0x49: {  	p0 =	sne.s32 s0, $0x0;
	_ =	strace $0x9000004A  }
0x4a: {  	s0 =	sadd.s32 @!p0 $0x100000, s1;
	[bflag:$0x2] =	sbarrier.arrive $0xFFFF  }
0x4b: {  	[sflag:s0] =	ssyncadd.tile.s32 @!p0 $0x1;
	_ =	shalt  }
.Lfunc_end2:
_tile_overlayer_lowered:
.L_overlay_start_2:
0x4c: {  	(tag) =	ssettag $0x2  }
0x4d: {  	s0 =	rddreg [dreg:$0x0];
	s2 =	stileid.u32  }
0x4e: {  	s1 =	rddreg [dreg:$0x1];
	p0 =	sne.s32 s2, $0x0  }
0x4f: {  	s3 =	rddreg [dreg:$0x2];
	[bflag:$0x3] =	sbarrier.arrive $0xFFFF;
	s2 =	simm.s32 @!p0 $0x1C05  }
0x50: {  	[timem:s3], [sflag:s2] =	dma.local @!p0 [hbm:s0], s1  }
0x51: {  	s0 =	simm.s32 @!p0 $0x5  }
0x52: {  	_ =	swait.ge @!p0 [sflag:s0], s1  }
0x53: {  	s1 =	ssub.s32 @!p0 $0x0, s1;
	[sflag:s0] =	ssyncset.done @!p0 $0x0  }
0x54: {  	[sflag:s0] =	ssyncadd.s32 @!p0 s1  }
0x55: {  	[bflag:$0x3] =	sbarrier.arrive $0xFFFF  }
0x56: {  	_ =	shalt  }

// kernel: kernel.15.cloned.1.call-start
scs
__scs_entry_jumppad:
0x0: {  	(pc) =	sbr.rel $0x88, $3  }
0x1: {  	(tag) =	ssettag $0x0;
	lr =	simm.s32 $0x1  }
0x2: {  	[smem:$0x3F98] =	sst lr;
	_ =	strace $0xD0000000  }
0x3: {  	_ = 	snop  }
0x4: {  	_ = 	snop  }
0x5: {  	_ = 	snop  }
0x6: {  	_ = 	snop  }
0x7: {  	_ = 	snop  }
__scs_overlays_trampoline_lowered:
0x8: {  	[smem:$0x3FA7] =	sst s0  }
0x9: {  	[smem:$0x3FA8] =	sst s1  }
0xa: {  	[smem:$0x3FA9] =	sst s2  }
0xb: {  	[smem:$0x3FAA] =	sst s3  }
0xc: {  	[smem:$0x3FAB] =	sst s4  }
0xd: {  	[smem:$0x3FAC] =	sst s5  }
0xe: {  	[smem:$0x3FAD] =	sst s6  }
0xf: {  	[smem:$0x3FAE] =	sst s7  }
0x10: {  	[smem:$0x3FAF] =	sst s8  }
0x11: {  	[smem:$0x3FB0] =	sst s9;
	s0 =	simm.s32 @!p0 $0x0  }
0x12: {  	s1 =	sld [smem:$0x3F96];
	s0 =	simm.s32 @p0 $0x1  }
0x13: {  	[smem:$0x3FB1] =	sst s0;
	s0 =	simm.s32 @!p1 $0x0  }
0x14: {  	s2 =	sld [smem:$0x3F95];
	s0 =	simm.s32 @p1 $0x1  }
0x15: {  	[smem:$0x3FB2] =	sst s0;
	s0 =	simm.s32 @!p2 $0x0  }
0x16: {  	s3 =	sld [smem:$0x3FDB];
	s0 =	simm.s32 @p2 $0x1  }
0x17: {  	s4 =	simm.s32 $0x1BF5;
	[smem:$0x3FB4] =	sst s0  }
0x18: {  	s0 =	sld [smem:$0x3F97];
	_ =	swait.ge [sflag:s4], $0x0  }
0x19: {  	s7 =	sld [smem:$0x3F98]  }
0x1a: {  	s8 =	sadd.s32 $0xFFFFE003, lr  }
0x1b: {  	s9 =	sadd.s32 $0xFFFFFEF7, lr;
	s5 =	simm.s32 $0xFFFFFFFF;
	p2 =	slt.u32 s8, $0xFFFFF086  }
0x1c: {  	p1 =	slt.u32 s9, $0xF7A;
	s5 =	simm.s32 @!p2 $0x0  }
0x1d: {  	s5 =	simm.s32 @p1 $0x1;
	p0 =	seq.s32 s7, s2  }
0x1e: {  	s7 =	smul.u32 @!p0 $0xF7A, s2;
	p2 =	seq.s32 @!p0 s5, $0x0  }
0x1f: {  	s9 =	smul.u32 $0xF7A, s1;
	s8 =	simm.s32 @!p0 $0x1BF5;
	p2 =	por !p2, p0  }
0x20: {  	[sflag:s8] =	ssyncset.s32 @!p0 $0xFFFFF086;
	s6 =	sadd.s32 @!p0 s3, s7;
	s7 =	simm.s32 @!p0 $0x108  }
0x21: {  	s3 =	sadd.s32 s3, s9;
	s6 =	sadd.s32 @!p0 $0x88, s6;
	s7 =	simm.s32 @p2 $0x1082  }
0x22: {  	[simem:s7], [sflag:s8] =	dma.local @!p0 [hbm:s6], $0xF7A  }
0x23: {  	s9 =	sor.u32 $0xD0000000, s2;
	s6 =	simm.s32 $0x108;
	_ =	swait.ge @!p0 [sflag:s8], $0x0  }
0x24: {  	s3 =	sadd.s32 $0x88, s3;
	s6 =	simm.s32 @!p1 $0x1082;
	[sflag:s4] =	ssyncset.s32 $0xFFFFF086  }
0x25: {  	[simem:s6], [sflag:s4] =	dma.local [hbm:s3], $0xF7A  }
0x26: {  	[smem:$0x3F98] =	sst s1;
	(tag) =	ssettag s2;
	_ =	strace s9  }
0x27: {  	s1 =	sld [smem:$0x3FA8]  }
0x28: {  	s2 =	sld [smem:$0x3FA9]  }
0x29: {  	s4 =	sld [smem:$0x3FAB]  }
0x2a: {  	p0 =	seq.s32 s5, $0x0;
	s5 =	sld [smem:$0x3FAC]  }
0x2b: {  	s6 =	sld [smem:$0x3FAD]  }
0x2c: {  	s7 =	sld [smem:$0x3FAE]  }
0x2d: {  	s3 =	simm.s32 $0x108;
	s8 =	sld [smem:$0x3FAF]  }
0x2e: {  	s3 =	simm.s32 @!p0 $0x1082;
	s9 =	sld [smem:$0x3FB0]  }
0x2f: {  	lr =	sadd.s32 s0, s3;
	s0 =	sld [smem:$0x3FA7]  }
0x30: {  	s3 =	sld [smem:$0x3FAA]  }
0x31: {  	[smem:$0x3FB3] =	sst s10  }
0x32: {  	s10 =	sld [smem:$0x3FB1];
	_ =	sdelay $0x3  }
0x33: {  	p0 =	seq.s32 s10, $0x1;
	s10 =	sld [smem:$0x3FB3];
	_ =	sdelay $0x3  }
0x34: {  	[smem:$0x3FB3] =	sst s10  }
0x35: {  	s10 =	sld [smem:$0x3FB2];
	_ =	sdelay $0x3  }
0x36: {  	p1 =	seq.s32 s10, $0x1;
	s10 =	sld [smem:$0x3FB3];
	_ =	sdelay $0x3  }
0x37: {  	[smem:$0x3FB3] =	sst s10  }
0x38: {  	s10 =	sld [smem:$0x3FB4]  }
0x39: {  	_ = 	snop;
	(pc) =	sbr.ind lr, $3  }
0x3a: {  	_ = 	snop  }
0x3b: {  	_ = 	snop  }
0x3c: {  	p2 =	seq.s32 s10, $0x1;
	s10 =	sld [smem:$0x3FB3]  }
0x3d: {  	_ =	shalt  }
0x3e: {  	_ =	shalt  }
0x3f: {  	_ =	shalt  }
0x40: {  	_ =	shalt  }
0x41: {  	_ =	shalt  }
0x42: {  	_ =	shalt  }
0x43: {  	_ =	shalt  }
0x44: {  	_ =	shalt  }
0x45: {  	_ =	shalt  }
0x46: {  	_ =	shalt  }
0x47: {  	_ =	shalt  }
0x48: {  	_ =	shalt  }
0x49: {  	_ =	shalt  }
0x4a: {  	_ =	shalt  }
0x4b: {  	_ =	shalt  }
0x4c: {  	_ =	shalt  }
0x4d: {  	_ =	shalt  }
0x4e: {  	_ =	shalt  }
0x4f: {  	_ =	shalt  }
0x50: {  	_ =	shalt  }
0x51: {  	_ =	shalt  }
0x52: {  	_ =	shalt  }
0x53: {  	_ =	shalt  }
0x54: {  	_ =	shalt  }
0x55: {  	_ =	shalt  }
0x56: {  	_ =	shalt  }
0x57: {  	_ =	shalt  }
0x58: {  	_ =	shalt  }
0x59: {  	_ =	shalt  }
0x5a: {  	_ =	shalt  }
0x5b: {  	_ =	shalt  }
0x5c: {  	_ =	shalt  }
0x5d: {  	_ =	shalt  }
0x5e: {  	_ =	shalt  }
0x5f: {  	_ =	shalt  }
0x60: {  	_ =	shalt  }
0x61: {  	_ =	shalt  }
0x62: {  	_ =	shalt  }
0x63: {  	_ =	shalt  }
0x64: {  	_ =	shalt  }
0x65: {  	_ =	shalt  }
0x66: {  	_ =	shalt  }
0x67: {  	_ =	shalt  }
0x68: {  	_ =	shalt  }
0x69: {  	_ =	shalt  }
0x6a: {  	_ =	shalt  }
0x6b: {  	_ =	shalt  }
0x6c: {  	_ =	shalt  }
0x6d: {  	_ =	shalt  }
0x6e: {  	_ =	shalt  }
0x6f: {  	_ =	shalt  }
0x70: {  	_ =	shalt  }
0x71: {  	_ =	shalt  }
0x72: {  	_ =	shalt  }
0x73: {  	_ =	shalt  }
0x74: {  	_ =	shalt  }
0x75: {  	_ =	shalt  }
0x76: {  	_ =	shalt  }
0x77: {  	_ =	shalt  }
0x78: {  	_ =	shalt  }
0x79: {  	_ =	shalt  }
0x7a: {  	_ =	shalt  }
0x7b: {  	_ =	shalt  }
0x7c: {  	_ =	shalt  }
0x7d: {  	_ =	shalt  }
0x7e: {  	_ =	shalt  }
0x7f: {  	_ =	shalt  }
0x80: {  	_ =	shalt  }
0x81: {  	_ =	shalt  }
0x82: {  	_ =	shalt  }
0x83: {  	_ =	shalt  }
0x84: {  	_ =	shalt  }
0x85: {  	_ =	shalt  }
0x86: {  	_ =	shalt  }
0x87: {  	_ =	shalt  }
.Lfunc_end0:
.L_simem_size_0:
called_computation.3_lowered:
.L_overlay_start_0:
0x88: {  	s2 =	sld [smem:$0x3FD9]  }
0x89: {  	s3 =	sld [smem:$0x3FFE];
	_ =	sdelay $0x1  }
0x8a: {  	s1 =	srdreg.scid  }
0x8b: {  	s0 =	sand.u32 $0x1, s1  }
0x8c: {  	s17 =	sshll.u32 s0, $0xA;
	s2 =	sadd.s32 s3, s2  }
0x8d: {  	s2 =	sadd.s32 s2, s17  }
0x8e: {  	[smem:$0x3FBF] =	sst s2  }
0x8f: {  	_ = 	snop  }
0x90: {  	s18 =	sld [smem:$0x3FD0];
	(tm) =	ssettm $0x1  }
0x91: {  	s19 =	sld [smem:$0x3FFB];
	_ =	sdelay $0x3  }
0x92: {  	_ =	strace s19  }
0x93: {  	s2 =	sld [smem:$0x3FFC];
	_ =	sdelay $0x3  }
0x94: {  	_ =	strace s2  }
0x95: {  	s2 =	sld [smem:$0x3FFD];
	_ =	sdelay $0x3  }
0x96: {  	_ =	strace s2  }
0x97: {  	_ =	strace $0x8FFFFFFF  }
0x98: {  	s20 =	sld [smem:$0x3FDB];
	_ =	sdelay $0x1  }
0x99: {  	s4 =	simm.s32 $_scs_section_size  }
0x9a: {  	s5 =	simm.s32 $_size__tile_overlayer_lowered;
	s6 =	simm.s32 $_tile_overlayer_lowered  }
0x9b: {  	s7 =	simm.s32 $0x1BFF;
	s21 =	sshll.u32 s6, $0x1;
	s4 =	sadd.s32 s4, s20  }
0x9c: {  	s22 =	simm.s32 $0x0;
	s5 =	sshll.u32 s5, $0x1;
	s6 =	sadd.s32 s21, s4  }
0x9d: {  	[timem:s22], [sflag:s7] =	dma.local [hbm:s6], s5  }
0x9e: {  	_ =	swait.ge [sflag:s7], s5  }
0x9f: {  	s5 =	ssub.s32 $0x0, s5;
	[sflag:s7] =	ssyncset.done $0x0  }
0xa0: {  	[sflag:s7] =	ssyncadd.s32 s5;
	_ =	sdelay $0x1  }
0xa1: {  	s23 =	simm.s32 $0x1B8B  }
0xa2: {  	_ =	swait.ge [sflag:s23], $0x1  }
0xa3: {  	[sflag:s23] =	ssyncset.done $0x0  }
0xa4: {  	[sflag:s23] =	ssyncadd.s32 $0xFFFFFFFF  }
0xa5: {  	s5 =	sld [smem:$0x0]  }
0xa6: {  	s6 =	sand.u32 $0xFFFFFFFE, s1  }
0xa7: {  	p0 =	sne.s32 s1, s6  }
0xa8: {  	s6 =	sshll.u32 @p0 s6, $0xE  }
0xa9: {  	s6 =	sadd.s32 @p0 $0x11B8D, s6;
	s7 =	sshll.u32 @p0 s5, $0x11  }
0xaa: {  	s6 =	sor.u32 @p0 s7, s6  }
0xab: {  	[sflag:s6] =	ssyncadd.remote.s32 @p0 $0x1;
	_ =	sdelay $0x1  }
0xac: {  	s6 =	simm.s32 @p0 $0x1B8D  }
0xad: {  	_ =	swait.eq @p0 [sflag:s6], $0x1  }
0xae: {  	[sflag:s6] =	ssyncadd.s32 @p0 $0xFFFFFFFF  }
0xaf: {  	s7 =	sshll.u32 @!p0 s1, $0xE  }
0xb0: {  	s7 =	sor.u32 @!p0 $0x4000, s7;
	s6 =	simm.s32 @!p0 $0x1B8D  }
0xb1: {  	s5 =	sshll.u32 @!p0 s5, $0x11;
	s7 =	sadd.s32 @!p0 $0x11B8D, s7;
	_ =	swait.eq @!p0 [sflag:s6], $0x1  }
0xb2: {  	s5 =	sor.u32 @!p0 s5, s7;
	[sflag:s6] =	ssyncadd.s32 @!p0 $0xFFFFFFFF  }
0xb3: {  	s25 =	simm.s32 $0x1B8E;
	s24 =	sld [smem:$0x3FFE];
	[sflag:s5] =	ssyncadd.remote.s32 @!p0 $0x1  }
0xb4: {  	s26 =	simm.s32 $execute0_lowered;
	[smem:$0x3FD2] =	sst s25  }
0xb5: {  	s6 =	sshll.u32 s26, $0x1;
	_ =	strace $0x8000004C;
	[dreg:$0x1] =	wrdreg $0xFFFFFFFF  }
0xb6: {  	s28 =	simm.s32 $_size_execute0_lowered;
	s4 =	sadd.s32 s4, s6;
	[dreg:$0x0] =	wrdreg $0x0  }
0xb7: {  	s6 =	sshll.u32 s28, $0x1;
	[dreg:$0x2] =	wrdreg s4  }
0xb8: {  	[dreg:$0x3] =	wrdreg s6  }
0xb9: {  	[dreg:$0x4] =	wrdreg $0xC0  }
0xba: {  	_ =	task [dreg:s22], $0x5FFFF  }
0xbb: {  	[dreg:$0x1] =	wrdreg $0xFFFFFFFF  }
0xbc: {  	[dreg:$0x0] =	wrdreg $0x60  }
0xbd: {  	[dreg:$0x2] =	wrdreg s18  }
0xbe: {  	[dreg:$0x3] =	wrdreg s24  }
0xbf: {  	[dreg:$0x4] =	wrdreg $0xA  }
0xc0: {  	_ =	task.clear_ibuf [dreg:s22], $0x5FFFF;
	_ =	strace $0x9000004C  }
0xc1: {  	s29 =	simm.s32 $0xA;
	_ =	strace $0x8000004E  }
0xc2: {  	_ =	swait.ge [sflag:s29], $0x1  }
0xc3: {  	[sflag:s29] =	ssyncadd.s32 $0xFFFFFFFF  }
0xc4: {  	_ =	strace $0x9000004E  }
0xc5: {  	_ =	sfence  }
0xc6: {  	s30 =	sld [smem:$0x0];
	_ =	sdelay $0x2  }
0xc7: {  	s31 =	sshll.u32 s1, $0xD;
	s1 =	sshrl.u32 s1, $0x2  }
0xc8: {  	s4 =	sand.u32 $0x4000, s31;
	s1 =	sadd.s32 s1, s30  }
0xc9: {  	s0 =	sor.u32 s4, s0;
	s1 =	sshll.u32 s1, $0x11  }
0xca: {  	s0 =	sor.u32 s1, s0  }
0xcb: {  	s0 =	sadd.s32 $0x8F2B, s0  }
0xcc: {  	[sflag:s0] =	ssyncadd.remote.s32 $0x1  }
0xcd: {  	_ =	sfence.sel $0xFFFF  }
0xce: {  	[dreg:$0x0] =	wrdreg $0xFFFFFFFF;
	(pc) =	sbr.abs _section_cstart, $3  }
0xcf: {  	[dreg:$0x1] =	wrdreg $0xFFFFFFFF  }
0xd0: {  	_ =	task.clear_ibuf [dreg:s22], $0x2FFFF;
	_ =	strace $0x9FFFFFFF  }
0xd1: {  	(tm) =	ssettm $0x7FFFFFFF  }
tec
execute0_lowered:
.L_overlay_start_1:
0x0: {  	(tag) =	ssettag $0x1  }
0x1: {  	s2 =	rddreg [dreg:$0x0];
	s1 =	srdreg.scid  }
0x2: {  	s0 =	stileid.u32;
	s4 =	rddreg [dreg:$0x1]  }
0x3: {  	s3 =	simm.s32 $0x0;
	s13 =	simm.s32 $0x1;
	s14 =	simm.s32 $0x5910  }
0x4: {  	s15 =	simm.s32 $0x2;
	s16 =	simm.s32 $0x3;
	s17 =	simm.s32 $0x4  }
0x5: {  	s18 =	simm.s32 $0x0;
	s5 =	sand.u32 $0x1, s1;
	s9 =	smul.u32 $0x4E20, s0  }
0x6: {  	s6 =	sshll.u32 s0, $0x1;
	s1 =	rddreg [dreg:$0x2];
	s26 =	smul.u32 $0x27100, s0  }
0x7: {  	[smem:$0x7FF] =	sst s3;
	s12 =	sadd.s32 $0x633600, s4;
	s11 =	smul.u32 $0x2710, s5  }
0x8: {  	s6 =	sor.u32 s5, s6;
	s8 =	ssub.s32 $0x2, s5;
	s29 =	smul.u32 $0x13880, s5  }
0x9: {  	_ =	strace $0x8000004D;
	s7 =	smul.u32 $0x2710, s6;
	s10 =	sshrl.u32 s8, $0x1  }
0xa: {  	s6 =	smul.u32 $0x13880, s6;
	s30 =	sadd.s32 s26, s12;
	s8 =	ssub.s32 s8, s10  }
0xb: {  	s28 =	sadd.s32 s11, s9;
	s9 =	sadd.s32 s29, s30;
	s7 =	sshrl.u32 s7, $0x3  }
0xc: {  	s10 =	simm.s32 $0x5;
	s11 =	simm.s32 $0xC8;
	s7 =	sadd.s32 s7, s4  }
0xd: {  	s5 =	smax.u32 s8, $0x1;
	s4 =	sadd.s32 $0xB6C00, s7;
	s7 =	sshll.u32 s28, $0x3  }
0xe: {  	s6 =	sadd.s32 s12, s6;
	s9 =	sadd.s32 $0xC80, s9;
	s31 =	sadd.s32 s12, s7  }
0xf: {  	s7 =	sadd.s32 $0x640, s6;
	s12 =	simm.s32 $0x2710;
	s8 =	sadd.s32 $0x12C0, s31  }
.LBB2_1:
0x10: {  	[tilespmem:s3], [sflag:$0x5] =	stream.linear.gather [hbm4b:s4+s3], $0x2710, $0x38;
	[tilespmem:$0x8B10] =	vst v63  }
0x11: {  	_ =	swait.ge [sflag:s10], $0x2710  }
0x12: {  	[sflag:s10] =	ssyncset.done $0x0  }
0x13: {  	[sflag:s10] =	ssyncadd.s32 $0xFFFFD8F0  }
0x14: {  	[tilespmem:s12], [sflag:$0x1] =	stream.indirect.gather [hbm4b:s2+s11], $0x40, s3, s11, $0xb8;
	[tilespmem:$0x8B10] =	vst v63  }
0x15: {  	_ =	swait.ge [sflag:s13], $0x3200  }
0x16: {  	[sflag:s13] =	ssyncset.done $0x0  }
0x17: {  	[sflag:s13] =	ssyncadd.s32 $0xFFFFCE00  }
0x18: {  	[hbm4b:s6+s3] =	stream.linear.scatter [tilespmem:s12], [sflag:$0x3], $0x3200, $0x38;
	[tilespmem:$0x8B10] =	vst v63  }
0x19: {  	_ = 	snop  }
0x1a: {  	[tilespmem:s14], [sflag:$0x2] =	stream.indirect.gather [hbm4b:s2+s11], $0x40, s11, s11, $0xb8;
	[tilespmem:$0x8B10] =	vst v63  }
0x1b: {  	_ =	swait.ge [sflag:s15], $0x3200  }
0x1c: {  	[sflag:s15] =	ssyncset.done $0x0  }
0x1d: {  	[sflag:s15] =	ssyncadd.s32 $0xFFFFCE00  }
0x1e: {  	[hbm4b:s7+s3] =	stream.linear.scatter [tilespmem:s14], [sflag:$0x4], $0x3200, $0x38;
	[tilespmem:$0x8B10] =	vst v63  }
0x1f: {  	_ =	swait.ge [sflag:s16], $0x3200  }
0x20: {  	[sflag:s16] =	ssyncset.done $0x0  }
0x21: {  	s19 =	simm.s32 $0x190;
	[sflag:s16] =	ssyncadd.s32 $0xFFFFCE00  }
0x22: {  	[tilespmem:s12], [sflag:$0x1] =	stream.indirect.gather [hbm4b:s2+s11], $0x40, s19, s11, $0xb8;
	[tilespmem:$0x8B10] =	vst v63  }
0x23: {  	_ =	swait.ge [sflag:s13], $0x3200  }
0x24: {  	[sflag:s13] =	ssyncset.done $0x0  }
0x25: {  	s30 =	sadd.s32 $0x0, s9;
	[sflag:s13] =	ssyncadd.s32 $0xFFFFCE00  }
0x26: {  	[hbm4b:s30+s3] =	stream.linear.scatter [tilespmem:s12], [sflag:$0x3], $0x3200, $0x38;
	[tilespmem:$0x8B10] =	vst v63  }
0x27: {  	_ =	swait.ge [sflag:s17], $0x3200  }
0x28: {  	[sflag:s17] =	ssyncset.done $0x0  }
0x29: {  	s31 =	simm.s32 $0x258;
	[sflag:s17] =	ssyncadd.s32 $0xFFFFCE00  }
0x2a: {  	[tilespmem:s14], [sflag:$0x2] =	stream.indirect.gather [hbm4b:s2+s11], $0x40, s31, s11, $0xb8;
	[tilespmem:$0x8B10] =	vst v63  }
0x2b: {  	_ =	swait.ge [sflag:s15], $0x3200  }
0x2c: {  	s21 =	sadd.s32 $0x0, s8;
	[sflag:s15] =	ssyncset.done $0x0  }
0x2d: {  	s20 =	simm.s32 $0x3E8;
	s19 =	simm.s32 $0xC80;
	[sflag:s15] =	ssyncadd.s32 $0xFFFFCE00  }
.LBB2_2:
0x2e: {  	[hbm4b:s21+s3] =	stream.linear.scatter [tilespmem:s14], [sflag:$0x4], $0x3200, $0x38;
	[tilespmem:$0x8B10] =	vst v63  }
0x2f: {  	s21 =	smov.u32 s19  }
0x30: {  	p0 =	sne.s32 s19, $0x11F80;
	s19 =	sadd.s32 $0xC80, s19;
	_ =	swait.ge [sflag:s16], $0x3200  }
0x31: {  	[sflag:s16] =	ssyncset.done $0x0  }
0x32: {  	s22 =	sadd.s32 $0xFFFFFF38, s20;
	[sflag:s16] =	ssyncadd.s32 $0xFFFFCE00  }
0x33: {  	[tilespmem:s12], [sflag:$0x1] =	stream.indirect.gather [hbm4b:s2+s11], $0x40, s22, s11, $0xb8;
	[tilespmem:$0x8B10] =	vst v63  }
0x34: {  	_ =	swait.ge [sflag:s13], $0x3200  }
0x35: {  	[sflag:s13] =	ssyncset.done $0x0  }
0x36: {  	s22 =	sadd.s32 s21, s9;
	[sflag:s13] =	ssyncadd.s32 $0xFFFFCE00  }
0x37: {  	[hbm4b:s22+s3] =	stream.linear.scatter [tilespmem:s12], [sflag:$0x3], $0x3200, $0x38;
	[tilespmem:$0x8B10] =	vst v63  }
0x38: {  	_ =	swait.ge [sflag:s17], $0x3200  }
0x39: {  	[sflag:s17] =	ssyncset.done $0x0  }
.Ltmp0:
0x3a: {  	[sflag:s17] =	ssyncadd.s32 $0xFFFFCE00;
	(pc) =	sbr.rel @p0 .LBB2_2-.Ltmp0, $4  }
0x3b: {  	[tilespmem:s14], [sflag:$0x2] =	stream.indirect.gather [hbm4b:s2+s11], $0x40, s20, s11, $0xb8;
	[tilespmem:$0x8B10] =	vst v63  }
0x3c: {  	_ =	swait.ge [sflag:s15], $0x3200  }
0x3d: {  	[sflag:s15] =	ssyncset.done $0x0  }
0x3e: {  	s21 =	sadd.s32 s21, s8;
	s20 =	sadd.s32 $0x190, s20;
	[sflag:s15] =	ssyncadd.s32 $0xFFFFCE00  }
0x3f: {  	[hbm4b:s21+s3] =	stream.linear.scatter [tilespmem:s14], [sflag:$0x4], $0x3200, $0x38;
	[tilespmem:$0x8B10] =	vst v63  }
0x40: {  	s18 =	sadd.s32 $0x1, s18  }
0x41: {  	_ =	swait.ge [sflag:s16], $0x3200;
	p0 =	sne.s32 s18, s5  }
.Ltmp1:
0x42: {  	[sflag:s16] =	ssyncset.done $0x0;
	(pc) =	sbr.rel @p0 .LBB2_1-.Ltmp1, $4  }
0x43: {  	[sflag:s16] =	ssyncadd.s32 $0xFFFFCE00  }
0x44: {  	_ =	swait.ge [sflag:s17], $0x3200  }
0x45: {  	[sflag:s17] =	ssyncset.done $0x0  }
0x46: {  	[sflag:s17] =	ssyncadd.s32 $0xFFFFCE00  }
0x47: {  	_ =	sfence.sel $0x180000  }
0x48: {  	[bflag:$0x0] =	sbarrier.arrive $0xFFFF  }
0x49: {  	p0 =	sne.s32 s0, $0x0;
	_ =	strace $0x9000004D  }
0x4a: {  	s0 =	sadd.s32 @!p0 $0x100000, s1;
	[bflag:$0x2] =	sbarrier.arrive $0xFFFF  }
0x4b: {  	[sflag:s0] =	ssyncadd.tile.s32 @!p0 $0x1;
	_ =	shalt  }
.Lfunc_end2:
_tile_overlayer_lowered:
.L_overlay_start_2:
0x4c: {  	(tag) =	ssettag $0x2  }
0x4d: {  	s0 =	rddreg [dreg:$0x0];
	s2 =	stileid.u32  }
0x4e: {  	s1 =	rddreg [dreg:$0x1];
	p0 =	sne.s32 s2, $0x0  }
0x4f: {  	s3 =	rddreg [dreg:$0x2];
	[bflag:$0x3] =	sbarrier.arrive $0xFFFF;
	s2 =	simm.s32 @!p0 $0x1C05  }
0x50: {  	[timem:s3], [sflag:s2] =	dma.local @!p0 [hbm:s0], s1  }
0x51: {  	s0 =	simm.s32 @!p0 $0x5  }
0x52: {  	_ =	swait.ge @!p0 [sflag:s0], s1  }
0x53: {  	s1 =	ssub.s32 @!p0 $0x0, s1;
	[sflag:s0] =	ssyncset.done @!p0 $0x0  }
0x54: {  	[sflag:s0] =	ssyncadd.s32 @!p0 s1  }
0x55: {  	[bflag:$0x3] =	sbarrier.arrive $0xFFFF  }
0x56: {  	_ =	shalt  }

// kernel: kernel.9.cloned.1.call-start
scs
__scs_entry_jumppad:
0x0: {  	(pc) =	sbr.rel $0x88, $3  }
0x1: {  	(tag) =	ssettag $0x0;
	lr =	simm.s32 $0x1  }
0x2: {  	[smem:$0x3F98] =	sst lr;
	_ =	strace $0xD0000000  }
0x3: {  	_ = 	snop  }
0x4: {  	_ = 	snop  }
0x5: {  	_ = 	snop  }
0x6: {  	_ = 	snop  }
0x7: {  	_ = 	snop  }
__scs_overlays_trampoline_lowered:
0x8: {  	[smem:$0x3FA7] =	sst s0  }
0x9: {  	[smem:$0x3FA8] =	sst s1  }
0xa: {  	[smem:$0x3FA9] =	sst s2  }
0xb: {  	[smem:$0x3FAA] =	sst s3  }
0xc: {  	[smem:$0x3FAB] =	sst s4  }
0xd: {  	[smem:$0x3FAC] =	sst s5  }
0xe: {  	[smem:$0x3FAD] =	sst s6  }
0xf: {  	[smem:$0x3FAE] =	sst s7  }
0x10: {  	[smem:$0x3FAF] =	sst s8  }
0x11: {  	[smem:$0x3FB0] =	sst s9;
	s0 =	simm.s32 @!p0 $0x0  }
0x12: {  	s1 =	sld [smem:$0x3F96];
	s0 =	simm.s32 @p0 $0x1  }
0x13: {  	[smem:$0x3FB1] =	sst s0;
	s0 =	simm.s32 @!p1 $0x0  }
0x14: {  	s2 =	sld [smem:$0x3F95];
	s0 =	simm.s32 @p1 $0x1  }
0x15: {  	[smem:$0x3FB2] =	sst s0;
	s0 =	simm.s32 @!p2 $0x0  }
0x16: {  	s3 =	sld [smem:$0x3FDB];
	s0 =	simm.s32 @p2 $0x1  }
0x17: {  	s4 =	simm.s32 $0x1BF5;
	[smem:$0x3FB4] =	sst s0  }
0x18: {  	s0 =	sld [smem:$0x3F97];
	_ =	swait.ge [sflag:s4], $0x0  }
0x19: {  	s7 =	sld [smem:$0x3F98]  }
0x1a: {  	s8 =	sadd.s32 $0xFFFFE003, lr  }
0x1b: {  	s9 =	sadd.s32 $0xFFFFFEF7, lr;
	s5 =	simm.s32 $0xFFFFFFFF;
	p2 =	slt.u32 s8, $0xFFFFF086  }
0x1c: {  	p1 =	slt.u32 s9, $0xF7A;
	s5 =	simm.s32 @!p2 $0x0  }
0x1d: {  	s5 =	simm.s32 @p1 $0x1;
	p0 =	seq.s32 s7, s2  }
0x1e: {  	s7 =	smul.u32 @!p0 $0xF7A, s2;
	p2 =	seq.s32 @!p0 s5, $0x0  }
0x1f: {  	s9 =	smul.u32 $0xF7A, s1;
	s8 =	simm.s32 @!p0 $0x1BF5;
	p2 =	por !p2, p0  }
0x20: {  	[sflag:s8] =	ssyncset.s32 @!p0 $0xFFFFF086;
	s6 =	sadd.s32 @!p0 s3, s7;
	s7 =	simm.s32 @!p0 $0x108  }
0x21: {  	s3 =	sadd.s32 s3, s9;
	s6 =	sadd.s32 @!p0 $0x88, s6;
	s7 =	simm.s32 @p2 $0x1082  }
0x22: {  	[simem:s7], [sflag:s8] =	dma.local @!p0 [hbm:s6], $0xF7A  }
0x23: {  	s9 =	sor.u32 $0xD0000000, s2;
	s6 =	simm.s32 $0x108;
	_ =	swait.ge @!p0 [sflag:s8], $0x0  }
0x24: {  	s3 =	sadd.s32 $0x88, s3;
	s6 =	simm.s32 @!p1 $0x1082;
	[sflag:s4] =	ssyncset.s32 $0xFFFFF086  }
0x25: {  	[simem:s6], [sflag:s4] =	dma.local [hbm:s3], $0xF7A  }
0x26: {  	[smem:$0x3F98] =	sst s1;
	(tag) =	ssettag s2;
	_ =	strace s9  }
0x27: {  	s1 =	sld [smem:$0x3FA8]  }
0x28: {  	s2 =	sld [smem:$0x3FA9]  }
0x29: {  	s4 =	sld [smem:$0x3FAB]  }
0x2a: {  	p0 =	seq.s32 s5, $0x0;
	s5 =	sld [smem:$0x3FAC]  }
0x2b: {  	s6 =	sld [smem:$0x3FAD]  }
0x2c: {  	s7 =	sld [smem:$0x3FAE]  }
0x2d: {  	s3 =	simm.s32 $0x108;
	s8 =	sld [smem:$0x3FAF]  }
0x2e: {  	s3 =	simm.s32 @!p0 $0x1082;
	s9 =	sld [smem:$0x3FB0]  }
0x2f: {  	lr =	sadd.s32 s0, s3;
	s0 =	sld [smem:$0x3FA7]  }
0x30: {  	s3 =	sld [smem:$0x3FAA]  }
0x31: {  	[smem:$0x3FB3] =	sst s10  }
0x32: {  	s10 =	sld [smem:$0x3FB1];
	_ =	sdelay $0x3  }
0x33: {  	p0 =	seq.s32 s10, $0x1;
	s10 =	sld [smem:$0x3FB3];
	_ =	sdelay $0x3  }
0x34: {  	[smem:$0x3FB3] =	sst s10  }
0x35: {  	s10 =	sld [smem:$0x3FB2];
	_ =	sdelay $0x3  }
0x36: {  	p1 =	seq.s32 s10, $0x1;
	s10 =	sld [smem:$0x3FB3];
	_ =	sdelay $0x3  }
0x37: {  	[smem:$0x3FB3] =	sst s10  }
0x38: {  	s10 =	sld [smem:$0x3FB4]  }
0x39: {  	_ = 	snop;
	(pc) =	sbr.ind lr, $3  }
0x3a: {  	_ = 	snop  }
0x3b: {  	_ = 	snop  }
0x3c: {  	p2 =	seq.s32 s10, $0x1;
	s10 =	sld [smem:$0x3FB3]  }
0x3d: {  	_ =	shalt  }
0x3e: {  	_ =	shalt  }
0x3f: {  	_ =	shalt  }
0x40: {  	_ =	shalt  }
0x41: {  	_ =	shalt  }
0x42: {  	_ =	shalt  }
0x43: {  	_ =	shalt  }
0x44: {  	_ =	shalt  }
0x45: {  	_ =	shalt  }
0x46: {  	_ =	shalt  }
0x47: {  	_ =	shalt  }
0x48: {  	_ =	shalt  }
0x49: {  	_ =	shalt  }
0x4a: {  	_ =	shalt  }
0x4b: {  	_ =	shalt  }
0x4c: {  	_ =	shalt  }
0x4d: {  	_ =	shalt  }
0x4e: {  	_ =	shalt  }
0x4f: {  	_ =	shalt  }
0x50: {  	_ =	shalt  }
0x51: {  	_ =	shalt  }
0x52: {  	_ =	shalt  }
0x53: {  	_ =	shalt  }
0x54: {  	_ =	shalt  }
0x55: {  	_ =	shalt  }
0x56: {  	_ =	shalt  }
0x57: {  	_ =	shalt  }
0x58: {  	_ =	shalt  }
0x59: {  	_ =	shalt  }
0x5a: {  	_ =	shalt  }
0x5b: {  	_ =	shalt  }
0x5c: {  	_ =	shalt  }
0x5d: {  	_ =	shalt  }
0x5e: {  	_ =	shalt  }
0x5f: {  	_ =	shalt  }
0x60: {  	_ =	shalt  }
0x61: {  	_ =	shalt  }
0x62: {  	_ =	shalt  }
0x63: {  	_ =	shalt  }
0x64: {  	_ =	shalt  }
0x65: {  	_ =	shalt  }
0x66: {  	_ =	shalt  }
0x67: {  	_ =	shalt  }
0x68: {  	_ =	shalt  }
0x69: {  	_ =	shalt  }
0x6a: {  	_ =	shalt  }
0x6b: {  	_ =	shalt  }
0x6c: {  	_ =	shalt  }
0x6d: {  	_ =	shalt  }
0x6e: {  	_ =	shalt  }
0x6f: {  	_ =	shalt  }
0x70: {  	_ =	shalt  }
0x71: {  	_ =	shalt  }
0x72: {  	_ =	shalt  }
0x73: {  	_ =	shalt  }
0x74: {  	_ =	shalt  }
0x75: {  	_ =	shalt  }
0x76: {  	_ =	shalt  }
0x77: {  	_ =	shalt  }
0x78: {  	_ =	shalt  }
0x79: {  	_ =	shalt  }
0x7a: {  	_ =	shalt  }
0x7b: {  	_ =	shalt  }
0x7c: {  	_ =	shalt  }
0x7d: {  	_ =	shalt  }
0x7e: {  	_ =	shalt  }
0x7f: {  	_ =	shalt  }
0x80: {  	_ =	shalt  }
0x81: {  	_ =	shalt  }
0x82: {  	_ =	shalt  }
0x83: {  	_ =	shalt  }
0x84: {  	_ =	shalt  }
0x85: {  	_ =	shalt  }
0x86: {  	_ =	shalt  }
0x87: {  	_ =	shalt  }
.Lfunc_end0:
.L_simem_size_0:
called_computation.1_lowered:
.L_overlay_start_0:
0x88: {  	s2 =	sld [smem:$0x3FD9]  }
0x89: {  	s3 =	sld [smem:$0x3FFE];
	_ =	sdelay $0x1  }
0x8a: {  	s1 =	srdreg.scid  }
0x8b: {  	s0 =	sand.u32 $0x1, s1  }
0x8c: {  	s17 =	sshll.u32 s0, $0xA;
	s2 =	sadd.s32 s3, s2  }
0x8d: {  	s2 =	sadd.s32 s2, s17  }
0x8e: {  	[smem:$0x3FBF] =	sst s2  }
0x8f: {  	_ = 	snop  }
0x90: {  	s2 =	sld [smem:$0x3FD0];
	(tm) =	ssettm $0x1  }
0x91: {  	s18 =	sld [smem:$0x3FFB];
	_ =	sdelay $0x3  }
0x92: {  	_ =	strace s18  }
0x93: {  	s3 =	sld [smem:$0x3FFC];
	_ =	sdelay $0x3  }
0x94: {  	_ =	strace s3  }
0x95: {  	s3 =	sld [smem:$0x3FFD];
	_ =	sdelay $0x3  }
0x96: {  	_ =	strace s3  }
0x97: {  	_ =	strace $0x8FFFFFFF  }
0x98: {  	s19 =	sld [smem:$0x3FDB];
	_ =	sdelay $0x1  }
0x99: {  	s4 =	simm.s32 $_scs_section_size  }
0x9a: {  	s5 =	simm.s32 $_size__tile_overlayer_lowered;
	s6 =	simm.s32 $_tile_overlayer_lowered  }
0x9b: {  	s22 =	simm.s32 $0x1BFF;
	s21 =	sshll.u32 s6, $0x1;
	s3 =	sadd.s32 s4, s19  }
0x9c: {  	s7 =	simm.s32 $0x0;
	s20 =	sshll.u32 s5, $0x1;
	s5 =	sadd.s32 s21, s3  }
0x9d: {  	[timem:s7], [sflag:s22] =	dma.local [hbm:s5], s20  }
0x9e: {  	_ =	swait.ge [sflag:s22], s20  }
0x9f: {  	s4 =	ssub.s32 $0x0, s20;
	[sflag:s22] =	ssyncset.done $0x0  }
0xa0: {  	[sflag:s22] =	ssyncadd.s32 s4;
	_ =	sdelay $0x1  }
0xa1: {  	s23 =	simm.s32 $0x1B8B  }
0xa2: {  	_ =	swait.ge [sflag:s23], $0x1  }
0xa3: {  	[sflag:s23] =	ssyncset.done $0x0  }
0xa4: {  	s25 =	simm.s32 $0x1B8E;
	s24 =	sld [smem:$0x3FFE];
	[sflag:s23] =	ssyncadd.s32 $0xFFFFFFFF  }
0xa5: {  	s26 =	simm.s32 $execute0_lowered;
	[smem:$0x3FD2] =	sst s25  }
0xa6: {  	s5 =	sshll.u32 s26, $0x1;
	_ =	strace $0x80000046;
	[dreg:$0x1] =	wrdreg $0xFFFFFFFF  }
0xa7: {  	s28 =	simm.s32 $_size_execute0_lowered;
	s3 =	sadd.s32 s3, s5;
	[dreg:$0x0] =	wrdreg $0x0  }
0xa8: {  	s5 =	sshll.u32 s28, $0x1;
	[dreg:$0x2] =	wrdreg s3  }
0xa9: {  	[dreg:$0x3] =	wrdreg s5  }
0xaa: {  	[dreg:$0x4] =	wrdreg $0xC0  }
0xab: {  	_ =	task [dreg:s7], $0x5FFFF  }
0xac: {  	[dreg:$0x1] =	wrdreg $0xFFFFFFFF  }
0xad: {  	[dreg:$0x0] =	wrdreg $0x60  }
0xae: {  	[dreg:$0x2] =	wrdreg s2  }
0xaf: {  	[dreg:$0x3] =	wrdreg s24  }
0xb0: {  	[dreg:$0x4] =	wrdreg $0x9  }
0xb1: {  	_ =	task.clear_ibuf [dreg:s7], $0x5FFFF;
	_ =	strace $0x90000046  }
0xb2: {  	s29 =	simm.s32 $0x9;
	_ =	strace $0x80000048  }
0xb3: {  	_ =	swait.ge [sflag:s29], $0x1  }
0xb4: {  	[sflag:s29] =	ssyncadd.s32 $0xFFFFFFFF  }
0xb5: {  	_ =	strace $0x90000048  }
0xb6: {  	_ =	sfence  }
0xb7: {  	s30 =	sld [smem:$0x0];
	_ =	sdelay $0x2  }
0xb8: {  	s31 =	sshll.u32 s1, $0xD;
	s1 =	sshrl.u32 s1, $0x2  }
0xb9: {  	s3 =	sand.u32 $0x4000, s31;
	s1 =	sadd.s32 s1, s30  }
0xba: {  	s0 =	sor.u32 s3, s0;
	s1 =	sshll.u32 s1, $0x11  }
0xbb: {  	s0 =	sor.u32 s1, s0  }
0xbc: {  	s0 =	sadd.s32 $0x8F2B, s0  }
0xbd: {  	[sflag:s0] =	ssyncadd.remote.s32 $0x1  }
0xbe: {  	_ =	sfence.sel $0xFFFF  }
0xbf: {  	[dreg:$0x0] =	wrdreg $0xFFFFFFFF;
	(pc) =	sbr.abs _section_cstart, $3  }
0xc0: {  	[dreg:$0x1] =	wrdreg $0xFFFFFFFF  }
0xc1: {  	_ =	task.clear_ibuf [dreg:s7], $0x2FFFF;
	_ =	strace $0x9FFFFFFF  }
0xc2: {  	(tm) =	ssettm $0x7FFFFFFF  }
0xc3: {  	_ =	shalt  }
tec
execute0_lowered:
.L_overlay_start_1:
0x0: {  	(tag) =	ssettag $0x1  }
0x1: {  	s2 =	rddreg [dreg:$0x0];
	s1 =	srdreg.scid  }
0x2: {  	s0 =	stileid.u32;
	s4 =	rddreg [dreg:$0x1]  }
0x3: {  	s3 =	simm.s32 $0x0;
	s13 =	simm.s32 $0x1;
	s14 =	simm.s32 $0xB220  }
0x4: {  	s15 =	simm.s32 $0x2;
	s16 =	simm.s32 $0x3;
	s17 =	simm.s32 $0x4  }
0x5: {  	s18 =	simm.s32 $0x0;
	s5 =	sand.u32 $0x1, s1;
	s9 =	smul.u32 $0x9C40, s0  }
0x6: {  	s6 =	sshll.u32 s0, $0x1;
	s1 =	rddreg [dreg:$0x2];
	s26 =	smul.u32 $0x4E200, s0  }
0x7: {  	[smem:$0x7FF] =	sst s3;
	s12 =	sadd.s32 $0x3C2600, s4;
	s11 =	smul.u32 $0x4E20, s5  }
0x8: {  	s6 =	sor.u32 s5, s6;
	s8 =	ssub.s32 $0x2, s5;
	s29 =	smul.u32 $0x27100, s5  }
0x9: {  	_ =	strace $0x80000047;
	s7 =	smul.u32 $0x4E20, s6;
	s10 =	sshrl.u32 s8, $0x1  }
0xa: {  	s6 =	smul.u32 $0x27100, s6;
	s30 =	sadd.s32 s26, s12;
	s8 =	ssub.s32 s8, s10  }
0xb: {  	s28 =	sadd.s32 s11, s9;
	s9 =	sadd.s32 s29, s30;
	s7 =	sshrl.u32 s7, $0x3  }
0xc: {  	s10 =	simm.s32 $0x5;
	s11 =	simm.s32 $0x190;
	s7 =	sadd.s32 s7, s4  }
0xd: {  	s5 =	smax.u32 s8, $0x1;
	s4 =	sadd.s32 $0x276400, s7;
	s7 =	sshll.u32 s28, $0x3  }
0xe: {  	s6 =	sadd.s32 s12, s6;
	s9 =	sadd.s32 $0x1900, s9;
	s31 =	sadd.s32 s12, s7  }
0xf: {  	s7 =	sadd.s32 $0xC80, s6;
	s12 =	simm.s32 $0x4E20;
	s8 =	sadd.s32 $0x2580, s31  }
.LBB2_1:
0x10: {  	[tilespmem:s3], [sflag:$0x5] =	stream.linear.gather [hbm4b:s4+s3], $0x4E20, $0x38;
	[tilespmem:$0x11620] =	vst v63  }
0x11: {  	_ =	swait.ge [sflag:s10], $0x4E20  }
0x12: {  	[sflag:s10] =	ssyncset.done $0x0  }
0x13: {  	[sflag:s10] =	ssyncadd.s32 $0xFFFFB1E0  }
0x14: {  	[tilespmem:s12], [sflag:$0x1] =	stream.indirect.gather [hbm4b:s2+s11], $0x40, s3, s11, $0xb8;
	[tilespmem:$0x11620] =	vst v63  }
0x15: {  	_ =	swait.ge [sflag:s13], $0x6400  }
0x16: {  	[sflag:s13] =	ssyncset.done $0x0  }
0x17: {  	[sflag:s13] =	ssyncadd.s32 $0xFFFF9C00  }
0x18: {  	[hbm4b:s6+s3] =	stream.linear.scatter [tilespmem:s12], [sflag:$0x3], $0x6400, $0x38;
	[tilespmem:$0x11620] =	vst v63  }
0x19: {  	_ = 	snop  }
0x1a: {  	[tilespmem:s14], [sflag:$0x2] =	stream.indirect.gather [hbm4b:s2+s11], $0x40, s11, s11, $0xb8;
	[tilespmem:$0x11620] =	vst v63  }
0x1b: {  	_ =	swait.ge [sflag:s15], $0x6400  }
0x1c: {  	[sflag:s15] =	ssyncset.done $0x0  }
0x1d: {  	[sflag:s15] =	ssyncadd.s32 $0xFFFF9C00  }
0x1e: {  	[hbm4b:s7+s3] =	stream.linear.scatter [tilespmem:s14], [sflag:$0x4], $0x6400, $0x38;
	[tilespmem:$0x11620] =	vst v63  }
0x1f: {  	_ =	swait.ge [sflag:s16], $0x6400  }
0x20: {  	[sflag:s16] =	ssyncset.done $0x0  }
0x21: {  	s19 =	simm.s32 $0x320;
	[sflag:s16] =	ssyncadd.s32 $0xFFFF9C00  }
0x22: {  	[tilespmem:s12], [sflag:$0x1] =	stream.indirect.gather [hbm4b:s2+s11], $0x40, s19, s11, $0xb8;
	[tilespmem:$0x11620] =	vst v63  }
0x23: {  	_ =	swait.ge [sflag:s13], $0x6400  }
0x24: {  	[sflag:s13] =	ssyncset.done $0x0  }
0x25: {  	s30 =	sadd.s32 $0x0, s9;
	[sflag:s13] =	ssyncadd.s32 $0xFFFF9C00  }
0x26: {  	[hbm4b:s30+s3] =	stream.linear.scatter [tilespmem:s12], [sflag:$0x3], $0x6400, $0x38;
	[tilespmem:$0x11620] =	vst v63  }
0x27: {  	_ =	swait.ge [sflag:s17], $0x6400  }
0x28: {  	[sflag:s17] =	ssyncset.done $0x0  }
0x29: {  	s31 =	simm.s32 $0x4B0;
	[sflag:s17] =	ssyncadd.s32 $0xFFFF9C00  }
0x2a: {  	[tilespmem:s14], [sflag:$0x2] =	stream.indirect.gather [hbm4b:s2+s11], $0x40, s31, s11, $0xb8;
	[tilespmem:$0x11620] =	vst v63  }
0x2b: {  	_ =	swait.ge [sflag:s15], $0x6400  }
0x2c: {  	s21 =	sadd.s32 $0x0, s8;
	[sflag:s15] =	ssyncset.done $0x0  }
0x2d: {  	s20 =	simm.s32 $0x7D0;
	s19 =	simm.s32 $0x1900;
	[sflag:s15] =	ssyncadd.s32 $0xFFFF9C00  }
.LBB2_2:
0x2e: {  	[hbm4b:s21+s3] =	stream.linear.scatter [tilespmem:s14], [sflag:$0x4], $0x6400, $0x38;
	[tilespmem:$0x11620] =	vst v63  }
0x2f: {  	s21 =	smov.u32 s19  }
0x30: {  	p0 =	sne.s32 s19, $0x23F00;
	s19 =	sadd.s32 $0x1900, s19;
	_ =	swait.ge [sflag:s16], $0x6400  }
0x31: {  	[sflag:s16] =	ssyncset.done $0x0  }
0x32: {  	s22 =	sadd.s32 $0xFFFFFE70, s20;
	[sflag:s16] =	ssyncadd.s32 $0xFFFF9C00  }
0x33: {  	[tilespmem:s12], [sflag:$0x1] =	stream.indirect.gather [hbm4b:s2+s11], $0x40, s22, s11, $0xb8;
	[tilespmem:$0x11620] =	vst v63  }
0x34: {  	_ =	swait.ge [sflag:s13], $0x6400  }
0x35: {  	[sflag:s13] =	ssyncset.done $0x0  }
0x36: {  	s22 =	sadd.s32 s21, s9;
	[sflag:s13] =	ssyncadd.s32 $0xFFFF9C00  }
0x37: {  	[hbm4b:s22+s3] =	stream.linear.scatter [tilespmem:s12], [sflag:$0x3], $0x6400, $0x38;
	[tilespmem:$0x11620] =	vst v63  }
0x38: {  	_ =	swait.ge [sflag:s17], $0x6400  }
0x39: {  	[sflag:s17] =	ssyncset.done $0x0  }
.Ltmp0:
0x3a: {  	[sflag:s17] =	ssyncadd.s32 $0xFFFF9C00;
	(pc) =	sbr.rel @p0 .LBB2_2-.Ltmp0, $4  }
0x3b: {  	[tilespmem:s14], [sflag:$0x2] =	stream.indirect.gather [hbm4b:s2+s11], $0x40, s20, s11, $0xb8;
	[tilespmem:$0x11620] =	vst v63  }
0x3c: {  	_ =	swait.ge [sflag:s15], $0x6400  }
0x3d: {  	[sflag:s15] =	ssyncset.done $0x0  }
0x3e: {  	s21 =	sadd.s32 s21, s8;
	s20 =	sadd.s32 $0x320, s20;
	[sflag:s15] =	ssyncadd.s32 $0xFFFF9C00  }
0x3f: {  	[hbm4b:s21+s3] =	stream.linear.scatter [tilespmem:s14], [sflag:$0x4], $0x6400, $0x38;
	[tilespmem:$0x11620] =	vst v63  }
0x40: {  	s18 =	sadd.s32 $0x1, s18  }
0x41: {  	_ =	swait.ge [sflag:s16], $0x6400;
	p0 =	sne.s32 s18, s5  }
.Ltmp1:
0x42: {  	[sflag:s16] =	ssyncset.done $0x0;
	(pc) =	sbr.rel @p0 .LBB2_1-.Ltmp1, $4  }
0x43: {  	[sflag:s16] =	ssyncadd.s32 $0xFFFF9C00  }
0x44: {  	_ =	swait.ge [sflag:s17], $0x6400  }
0x45: {  	[sflag:s17] =	ssyncset.done $0x0  }
0x46: {  	[sflag:s17] =	ssyncadd.s32 $0xFFFF9C00  }
0x47: {  	_ =	sfence.sel $0x180000  }
0x48: {  	[bflag:$0x0] =	sbarrier.arrive $0xFFFF  }
0x49: {  	p0 =	sne.s32 s0, $0x0;
	_ =	strace $0x90000047  }
0x4a: {  	s0 =	sadd.s32 @!p0 $0x100000, s1;
	[bflag:$0x2] =	sbarrier.arrive $0xFFFF  }
0x4b: {  	[sflag:s0] =	ssyncadd.tile.s32 @!p0 $0x1;
	_ =	shalt  }
.Lfunc_end2:
_tile_overlayer_lowered:
.L_overlay_start_2:
0x4c: {  	(tag) =	ssettag $0x2  }
0x4d: {  	s0 =	rddreg [dreg:$0x0];
	s2 =	stileid.u32  }
0x4e: {  	s1 =	rddreg [dreg:$0x1];
	p0 =	sne.s32 s2, $0x0  }
0x4f: {  	s3 =	rddreg [dreg:$0x2];
	[bflag:$0x3] =	sbarrier.arrive $0xFFFF;
	s2 =	simm.s32 @!p0 $0x1C05  }
0x50: {  	[timem:s3], [sflag:s2] =	dma.local @!p0 [hbm:s0], s1  }
0x51: {  	s0 =	simm.s32 @!p0 $0x5  }
0x52: {  	_ =	swait.ge @!p0 [sflag:s0], s1  }
0x53: {  	s1 =	ssub.s32 @!p0 $0x0, s1;
	[sflag:s0] =	ssyncset.done @!p0 $0x0  }
0x54: {  	[sflag:s0] =	ssyncadd.s32 @!p0 s1  }
0x55: {  	[bflag:$0x3] =	sbarrier.arrive $0xFFFF  }
0x56: {  	_ =	shalt  }

// kernel: sparse-core-data-format-call.cloned.1.call-start
scs
called_computation_lowered:
.L_overlay_start_0:
0x0: {  	s2 =	sld [smem:$0x3FD9]  }
0x1: {  	s3 =	sld [smem:$0x3FFE];
	_ =	sdelay $0x1  }
0x2: {  	s1 =	srdreg.scid  }
0x3: {  	s0 =	sand.u32 $0x1, s1  }
0x4: {  	s18 =	sshll.u32 s0, $0xA;
	s2 =	sadd.s32 s3, s2  }
0x5: {  	s2 =	sadd.s32 s2, s18  }
0x6: {  	[smem:$0x3FBF] =	sst s2  }
0x7: {  	_ = 	snop  }
0x8: {  	s2 =	sld [smem:$0x3FD0];
	(tm) =	ssettm $0x1  }
0x9: {  	s19 =	sld [smem:$0x3FFB];
	_ =	sdelay $0x3  }
0xa: {  	_ =	strace s19  }
0xb: {  	s3 =	sld [smem:$0x3FFC];
	_ =	sdelay $0x3  }
0xc: {  	_ =	strace s3  }
0xd: {  	s3 =	sld [smem:$0x3FFD];
	_ =	sdelay $0x3  }
0xe: {  	_ =	strace s3  }
0xf: {  	_ =	strace $0x8FFFFFFF  }
0x10: {  	s20 =	sld [smem:$0x3FDB];
	_ =	sdelay $0x1  }
0x11: {  	s4 =	simm.s32 $_scs_section_size  }
0x12: {  	s5 =	simm.s32 $_size__tile_overlayer_lowered;
	s6 =	simm.s32 $_tile_overlayer_lowered  }
0x13: {  	s23 =	simm.s32 $0x1BFF;
	s22 =	sshll.u32 s6, $0x1;
	s3 =	sadd.s32 s4, s20  }
0x14: {  	s7 =	simm.s32 $0x0;
	s21 =	sshll.u32 s5, $0x1;
	s5 =	sadd.s32 s22, s3  }
0x15: {  	[timem:s7], [sflag:s23] =	dma.local [hbm:s5], s21  }
0x16: {  	_ =	swait.ge [sflag:s23], s21  }
0x17: {  	s4 =	ssub.s32 $0x0, s21;
	[sflag:s23] =	ssyncset.done $0x0  }
0x18: {  	[sflag:s23] =	ssyncadd.s32 s4;
	_ =	sdelay $0x1  }
0x19: {  	s24 =	simm.s32 $0x1B8B  }
0x1a: {  	_ =	swait.ge [sflag:s24], $0x1  }
0x1b: {  	[sflag:s24] =	ssyncset.done $0x0  }
0x1c: {  	s26 =	simm.s32 $0x1B8E;
	s25 =	sld [smem:$0x3FFE];
	[sflag:s24] =	ssyncadd.s32 $0xFFFFFFFF  }
0x1d: {  	s27 =	simm.s32 $execute0_lowered;
	[smem:$0x3FD2] =	sst s26  }
0x1e: {  	s5 =	sshll.u32 s27, $0x1;
	_ =	strace $0x8000004F;
	[dreg:$0x1] =	wrdreg $0xFFFFFFFF  }
0x1f: {  	s28 =	simm.s32 $_size_execute0_lowered;
	s3 =	sadd.s32 s3, s5;
	[dreg:$0x0] =	wrdreg $0x0  }
0x20: {  	s5 =	sshll.u32 s28, $0x1;
	[dreg:$0x2] =	wrdreg s3  }
0x21: {  	[dreg:$0x3] =	wrdreg s5  }
0x22: {  	[dreg:$0x4] =	wrdreg $0xC0  }
0x23: {  	_ =	task [dreg:s7], $0x5FFFF  }
0x24: {  	[dreg:$0x1] =	wrdreg $0xFFFFFFFF  }
0x25: {  	[dreg:$0x0] =	wrdreg $0x60  }
0x26: {  	[dreg:$0x2] =	wrdreg s25  }
0x27: {  	[dreg:$0x3] =	wrdreg s2  }
0x28: {  	[dreg:$0x4] =	wrdreg $0x9  }
0x29: {  	_ =	task.clear_ibuf [dreg:s7], $0x5FFFF;
	_ =	strace $0x9000004F  }
0x2a: {  	s29 =	simm.s32 $0x9;
	_ =	strace $0x80000051  }
0x2b: {  	_ =	swait.ge [sflag:s29], $0x1  }
0x2c: {  	[sflag:s29] =	ssyncadd.s32 $0xFFFFFFFF  }
0x2d: {  	_ =	strace $0x90000051  }
0x2e: {  	_ =	sfence  }
0x2f: {  	s30 =	sld [smem:$0x0];
	_ =	sdelay $0x2  }
0x30: {  	s31 =	sshll.u32 s1, $0xD;
	s1 =	sshrl.u32 s1, $0x2  }
0x31: {  	s3 =	sand.u32 $0x4000, s31;
	s1 =	sadd.s32 s1, s30  }
0x32: {  	s0 =	sor.u32 s3, s0;
	s1 =	sshll.u32 s1, $0x11  }
0x33: {  	s0 =	sor.u32 s1, s0  }
0x34: {  	s0 =	sadd.s32 $0x8F2B, s0  }
0x35: {  	[sflag:s0] =	ssyncadd.remote.s32 $0x1  }
0x36: {  	_ =	sfence.sel $0xFFFF  }
0x37: {  	[dreg:$0x0] =	wrdreg $0xFFFFFFFF;
	(pc) =	sbr.abs _section_cstart, $3  }
0x38: {  	[dreg:$0x1] =	wrdreg $0xFFFFFFFF  }
0x39: {  	_ =	task.clear_ibuf [dreg:s7], $0x2FFFF;
	_ =	strace $0x9FFFFFFF  }
0x3a: {  	(tm) =	ssettm $0x7FFFFFFF  }
0x3b: {  	_ =	shalt  }
tec
execute0_lowered:
.L_overlay_start_1:
0x0: {  	(tag) =	ssettag $0x1  }
0x1: {  	s0 =	srdreg.scid  }
0x2: {  	s1 =	sshll.u32 s0, $0x4  }
0x3: {  	s4 =	rddreg [dreg:$0x0];
	s0 =	stileid.u32;
	s1 =	sand.u32 $0x10, s1  }
0x4: {  	s2 =	rddreg [dreg:$0x1];
	s7 =	simm.s32 $0x1;
	s1 =	sor.u32 s0, s1  }
0x5: {  	s8 =	simm.s32 $0x2;
	s11 =	simm.s32 $0x0;
	s3 =	sshll.u32 s1, $0x7  }
0x6: {  	s10 =	simm.s32 $0x0;
	s4 =	sadd.s32 $0x4E00, s4;
	s6 =	ssub.s32 $0x27100, s3  }
.Ltmp0:
0x7: {  	s1 =	rddreg [dreg:$0x2];
	s5 =	sand.u32 $0xF80, s6;
	(pc) =	sbr.rel .LBB1_1-.Ltmp0, $4  }
0x8: {  	_ =	strace $0x80000050;
	s9 =	smov.u32 s3;
	p0 =	sne.s32 s5, $0x0  }
0x9: {  	s6 =	sshrl.u32 s6, $0xC;
	s5 =	simm.s32 $0x1;
	s7 =	simm.s32 @!p0 $0x0  }
0xa: {  	[sflag:s5] =	ssyncpa.u1 $0x0;
	p0 =	por $0x0, $0x0;
	s6 =	sadd.s32 s7, s6  }
0xb: {  	[sflag:s8] =	ssyncpa.u1 $0x0;
	s8 =	simm.s32 $0x138800;
	s7 =	sadd.s32 $0x1, s6  }
.LBB1_4:
0xc: {  	s14 =	sshll.u32 s11, $0x3  }
0xd: {  	s30 =	sand.u32 $0x7F, s11;
	s14 =	sand.u32 $0xFFFFFC00, s14  }
0xe: {  	s11 =	sor.u32 s30, s14  }
0xf: {  	s15 =	smulhi.u32 $0xD1B71759, s11;
	_ =	sdelay $0x1  }
0x10: {  	s14 =	smulhi.u32 $0xD1B71759, s14;
	s15 =	sshrl.u32 s15, $0x11  }
0x11: {  	s15 =	smul.u32 $0x27100, s15  }
0x12: {  	s14 =	sshrl.u32 s14, $0x11  }
0x13: {  	s14 =	sand.u32 $0x3F, s14;
	s11 =	ssub.s32 s11, s15  }
0x14: {  	[tilespmem:s13+$0x810 ss:$0x81] =	vst.msk $0xffff, v2;
	s14 =	smul.u32 $0x4E20, s14;
	s15 =	sshrl.u32 s11, $0x3;
	s11 =	sand.u32 $0x7, s11  }
0x15: {  	[tilespmem:s13+$0x1020 ss:$0x81] =	vst.msk $0xffff, v0;
	s15 =	sadd.s32 s2, s15;
	s11 =	sshll.u32 s11, $0x12  }
0x16: {  	[tilespmem:s13+$0x0 ss:$0x81] =	vst.msk $0xffff, v1;
	s31 =	sadd.s32 s14, s15;
	s11 =	sor.u32 $0x400, s11  }
0x17: {  	[hbm4b:s31+s11] =	stream.strided.scatter [tilespmem:s12], [sflag:$0x2], $0x2000, s8, s11, $0x20;
	[tilespmem:$0x8080] =	vst v63  }
.LBB1_5:
0x18: {  	s13 =	sadd.s32 $0x1000, s9  }
0x19: {  	p2 =	sgt.s32 s13, $0x270FF  }
0x1a: {  	s13 =	smov.u32 @p2 s3;
	p2 =	sne.s32 s10, s7  }
.Ltmp1:
0x1b: {  	p1 =	slt.u32 s10, $0x2;
	(pc) =	sbr.rel @!p2 .LBB1_6-.Ltmp1, $4  }
0x1c: {  	s12 =	simm.s32 @!p1 $0x2  }
0x1d: {  	s14 =	sadd.s32 $0x1, s10;
	_ =	swait.ge @!p1 [sflag:s12], $0x2000  }
0x1e: {  	s11 =	smov.u32 s9;
	p0 =	por !p0, !p0;
	[sflag:s12] =	ssyncset.done @!p1 $0x0  }
0x1f: {  	s10 =	smov.u32 s14;
	s9 =	smov.u32 s13;
	[sflag:s12] =	ssyncadd.s32 @!p1 $0xFFFFE000  }
.LBB1_1:
0x20: {  	p1 =	sge.u32 s10, s6  }
0x21: {  	s12 =	sand.u32 @!p1 $0x1FFFFFF, s9  }
0x22: {  	s13 =	smulhi.u32 @!p1 $0x1A36E2F, s12;
	_ =	sdelay $0x1  }
0x23: {  	s13 =	sshrl.u32 @!p1 s13, $0xA  }
0x24: {  	s13 =	smul.u32 @!p1 $0x27100, s13;
	_ =	sdelay $0x1  }
0x25: {  	s31 =	sadd.s32 $0xFFFFFFFF, s10;
	s14 =	sxor.u32 @!p1 $0xFFFFFFFF, s10;
	s12 =	ssub.s32 @!p1 s12, s13  }
0x26: {  	s15 =	simm.s32 @!p1 $0x80;
	s14 =	sshll.u32 @!p1 s14, $0xD;
	s12 =	sshll.u32 @!p1 s12, $0x4  }
0x27: {  	s13 =	sand.u32 @!p1 $0x2000, s14;
	s14 =	simm.s32 @!p1 $0x40;
	s12 =	sadd.s32 @!p1 s4, s12  }
0x28: {  	[tilespmem:s13], [sflag:$0x1] =	stream.strided.gather @!p1 [hbm4b:s12+s14], $0x2000, s15, s14, $0x38;
	[tilespmem:$0x8080] =	vst v63  }
0x29: {  	p1 =	sge.u32 s31, s6  }
.Ltmp2:
0x2a: {  	_ = 	snop;
	(pc) =	sbr.rel @p1 .LBB1_5-.Ltmp2, $1  }
0x2b: {  	_ =	sdelay $0x3  }
0x2c: {  	s12 =	simm.s32 $0x1  }
0x2d: {  	_ =	swait.ge [sflag:s5], $0x2000;
	s12 =	simm.s32 @!p0 $0x0  }
0x2e: {  	[sflag:s5] =	ssyncset.done $0x0;
	s13 =	sshll.u32 s12, $0xD  }
0x2f: {  	[sflag:s5] =	ssyncadd.s32 $0xFFFFE000;
	s16 =	sor.u32 $0x20, s13  }
0x30: {  	s12 =	smul.u32 $0x8100, s12;
	v3 =	vld [tilespmem:s16+$0x10]  }
0x31: {  	s30 =	sand.u32 $0x1, s10;
	v2 =	vld [tilespmem:s16+$0xFFFFFFF0]  }
0x32: {  	s13 =	smul.u32 $0x8100, s30;
	s12 =	sshrl.u32 s12, $0x2;
	v0 =	vld [tilespmem:s16+$0x0]  }
0x33: {  	v1 =	vld [tilespmem:s16+$0xFFFFFFE0];
	s14 =	sor.u32 $0x4000, s12  }
0x34: {  	s31 =	sshrl.u32 s13, $0x2;
	s13 =	sadd.s32 $0x0, s14  }
0x35: {  	s15 =	simm.s32 $0x4;
	s16 =	sadd.s32 $0x40, s16;
	s12 =	sor.u32 $0x4000, s31;
	[tilespmem:s13+$0x1830 ss:$0x81] =	vst.msk $0xffff, v3  }
.LBB1_3:
0x36: {  	v3 =	vld [tilespmem:s16+$0x10];
	p1 =	sne.s32 s15, $0x1FC;
	[tilespmem:s13+$0x810 ss:$0x81] =	vst.msk $0xffff, v2;
	s17 =	smov.u32 s15;
	s15 =	sadd.s32 $0x4, s15  }
.Ltmp3:
0x37: {  	v2 =	vld [tilespmem:s16+$0xFFFFFFF0];
	[tilespmem:s13+$0x1020 ss:$0x81] =	vst.msk $0xffff, v0;
	(pc) =	sbr.rel @p1 .LBB1_3-.Ltmp3, $4  }
0x38: {  	v0 =	vld [tilespmem:s16+$0x0];
	[tilespmem:s13+$0x0 ss:$0x81] =	vst.msk $0xffff, v1  }
0x39: {  	s13 =	sshra.s32 s17, $0x2;
	v1 =	vld [tilespmem:s16+$0xFFFFFFE0]  }
0x3a: {  	s13 =	sadd.s32 s13, s14  }
0x3b: {  	s16 =	sadd.s32 $0x40, s16;
	[tilespmem:s13+$0x1830 ss:$0x81] =	vst.msk $0xffff, v3  }
.Ltmp4:
0x3c: {  	_ = 	snop;
	(pc) =	sbr.rel .LBB1_4-.Ltmp4, $1  }
0x3d: {  	_ =	sdelay $0x3  }
.LBB1_6:
0x3e: {  	_ =	sfence.sel $0x180000  }
0x3f: {  	s2 =	simm.s32 $0x1;
	[bflag:$0x0] =	sbarrier.arrive $0xFFFF  }
0x40: {  	s31 =	simm.s32 $0x2;
	[sflag:s2] =	ssyncpa.u1 $0x1  }
0x41: {  	[sflag:s31] =	ssyncpa.u1 $0x1  }
0x42: {  	p0 =	sne.s32 s0, $0x0;
	_ =	strace $0x90000050  }
0x43: {  	s0 =	sadd.s32 @!p0 $0x100000, s1;
	[bflag:$0x2] =	sbarrier.arrive $0xFFFF  }
0x44: {  	[sflag:s0] =	ssyncadd.tile.s32 @!p0 $0x1;
	_ =	shalt  }
.Lfunc_end1:
_tile_overlayer_lowered:
.L_overlay_start_2:
0x45: {  	(tag) =	ssettag $0x2  }
0x46: {  	s0 =	rddreg [dreg:$0x0];
	s2 =	stileid.u32  }
0x47: {  	s1 =	rddreg [dreg:$0x1];
	p0 =	sne.s32 s2, $0x0  }
0x48: {  	s3 =	rddreg [dreg:$0x2];
	[bflag:$0x3] =	sbarrier.arrive $0xFFFF;
	s2 =	simm.s32 @!p0 $0x1C01  }
0x49: {  	[timem:s3], [sflag:s2] =	dma.local @!p0 [hbm:s0], s1  }
0x4a: {  	s0 =	simm.s32 @!p0 $0x1  }
0x4b: {  	_ =	swait.ge @!p0 [sflag:s0], s1  }
0x4c: {  	s1 =	ssub.s32 @!p0 $0x0, s1;
	[sflag:s0] =	ssyncset.done @!p0 $0x0  }
0x4d: {  	[sflag:s0] =	ssyncadd.s32 @!p0 s1  }
0x4e: {  	[bflag:$0x3] =	sbarrier.arrive $0xFFFF  }
0x4f: {  	_ =	shalt  }

</sc_bundles>
